<compile_context>
chip_gen: v7x
topology: tpu7x:2x2x1
jax: 0.10.2.dev20260603
libtpu: 0.0.44.dev20260713+nightly
codegen_flags: <defaults>
</compile_context>

<pallas_src>
import functools
import math

import numpy as np
import jax
import jax.numpy as jnp
from jax import lax
from jax.experimental import pallas as pl
from jax.experimental.pallas import tpu as pltpu
from jax.experimental.pallas import tpu_sc as plsc

VOCAB = 100000
D = 256
L_SEQ = 200
BATCH = 1024
SEQ_OUT = L_SEQ + 2
NLANE = 16
NV = D // NLANE
NW = 32
CHUNK = 64
CHUNKS_PER_L = BATCH // CHUNK
N_MAIN = L_SEQ * CHUNKS_PER_L
MAIN_PER_W = N_MAIN // NW
NBUF = 4
NROUNDS = MAIN_PER_W // NBUF
PE_ROWS = 16
PE_PAD = 208
TAIL_ROWS = 2 * BATCH
TAIL_PER_W = TAIL_ROWS // NW


def _pos_encoding_np(max_len, d_model):
    position = np.arange(0, max_len).astype(np.float32)[:, None]
    div_term = np.exp(
        np.arange(0, d_model, 2).astype(np.float32) * -(math.log(10000.0) / d_model)
    )
    pe = np.zeros((max_len, d_model), dtype=np.float32)
    pe[:, 0::2] = np.sin(position * div_term)
    pe[:, 1::2] = np.cos(position * div_term)
    return pe


_PE_NP = np.zeros((PE_PAD, D), dtype=np.float32)
_PE_NP[:L_SEQ] = _pos_encoding_np(1000, D)[:L_SEQ]


def _mlp_body(buf_ref, num_ref, sd_ref, nw1_ref, nb1_ref, nw2_ref, nb2_ref,
              sw1_ref, sb1_ref, sw2_ref, sb2_ref, out_ref):
    del buf_ref
    h = jnp.maximum(
        jnp.dot(num_ref[...], nw1_ref[...],
                preferred_element_type=jnp.float32) + nb1_ref[...], 0.0)
    ne = jnp.dot(h, nw2_ref[...],
                 preferred_element_type=jnp.float32) + nb2_ref[...]
    hs = jnp.maximum(
        jnp.dot(sd_ref[...], sw1_ref[...],
                preferred_element_type=jnp.float32) + sb1_ref[...], 0.0)
    se = jnp.dot(hs, sw2_ref[...],
                 preferred_element_type=jnp.float32) + sb2_ref[...]
    out_ref[:BATCH, :] = ne
    out_ref[BATCH:, :] = se


_IDS_ROWS = 16


def _write_mlp_tail(out_flat, num_in, sd, nw1, nb1, nw2, nb2, sw1, sb1, sw2, sb2):
    tail_spec = pl.BlockSpec((TAIL_ROWS, D),
                             lambda i: (L_SEQ * BATCH // TAIL_ROWS, 0))
    full = lambda s: pl.BlockSpec(s, lambda i, _s=s: tuple(0 for _ in _s))
    return pl.pallas_call(
        _mlp_body,
        grid=(1,),
        in_specs=[
            pl.BlockSpec(memory_space=pl.ANY),
            full((BATCH, 1)), full((BATCH, 10)),
            full((1, 64)), full((1, 64)), full((64, D)), full((1, D)),
            full((10, 128)), full((1, 128)), full((128, D)), full((1, D)),
        ],
        out_specs=tail_spec,
        out_shape=jax.ShapeDtypeStruct((SEQ_OUT * BATCH, D), jnp.float32),
        input_output_aliases={0: 0},
    )(out_flat, num_in, sd, nw1, nb1, nw2, nb2, sw1, sb1, sw2, sb2)


@functools.partial(
    pl.kernel,
    mesh=plsc.VectorSubcoreMesh(core_axis_name="c", subcore_axis_name="s"),
    out_type=jax.ShapeDtypeStruct((SEQ_OUT * BATCH, D), jnp.float32),
    scratch_types=[
        pltpu.VMEM((_IDS_ROWS, BATCH), jnp.int32),
        pltpu.VMEM((PE_ROWS, D), jnp.float32),
        *([pltpu.VMEM((CHUNK, D), jnp.float32)] * NBUF),
        *([pltpu.SemaphoreType.DMA] * NBUF),
        *([pltpu.SemaphoreType.DMA] * NBUF),
    ],
)
def _sc_encode(ids_hbm, pe_hbm, table_hbm, out_hbm, sidx_v, pe_v, *bufs):
    wid = lax.axis_index("s") * 2 + lax.axis_index("c")
    rows = bufs[:NBUF]
    gsem = bufs[NBUF:2 * NBUF]
    ssem = bufs[2 * NBUF:]
    lo = (wid * MAIN_PER_W) // CHUNKS_PER_L
    lo8 = pl.multiple_of(
        lax.min((lo // 8) * 8, jnp.int32(L_SEQ - _IDS_ROWS)), 8)

    pltpu.sync_copy(ids_hbm.at[pl.ds(lo8, _IDS_ROWS)], sidx_v)
    pltpu.sync_copy(pe_hbm.at[pl.ds(lo8, PE_ROWS)], pe_v)

    def idx_slice(t):
        g = wid * MAIN_PER_W + t
        return sidx_v.at[g // CHUNKS_PER_L - lo8,
                         pl.ds((g % CHUNKS_PER_L) * CHUNK, CHUNK)]

    def gather_issue(t, p):
        pltpu.async_copy(table_hbm.at[idx_slice(t)], rows[p], gsem[p])

    def gather_wait(p):
        pltpu.make_async_copy(table_hbm.at[idx_slice(0)], rows[p], gsem[p]).wait()

    def store_issue(t, p):
        row0 = pl.multiple_of((wid * MAIN_PER_W + t) * CHUNK, CHUNK)
        pltpu.async_copy(rows[p], out_hbm.at[pl.ds(row0, CHUNK)], ssem[p])

    def store_wait(p):
        pltpu.make_async_copy(rows[p], out_hbm.at[pl.ds(0, CHUNK)], ssem[p]).wait()

    def pe_add(t, p):
        rowi = (wid * MAIN_PER_W + t) // CHUNKS_PER_L - lo8
        pe_regs = [pe_v[rowi, pl.ds(NLANE * j, NLANE)] for j in range(NV)]
        buf = rows[p]

        @pl.loop(0, CHUNK)
        def _(r):
            for j in range(NV):
                plsc.addupdate(buf.at[r, pl.ds(NLANE * j, NLANE)], pe_regs[j])

    for t in range(NBUF - 2):
        gather_issue(t, t)

    @pl.loop(0, NROUNDS)
    def _(k):
        t0 = k * NBUF
        for ph in range(NBUF):
            t = t0 + ph
            pn = (ph + NBUF - 2) % NBUF
            gather_wait(ph)
            pe_add(t, ph)
            store_issue(t, ph)
            @pl.when(t + NBUF - 2 < MAIN_PER_W)
            def _():
                @pl.when(t >= 2)
                def _():
                    store_wait(pn)
                gather_issue(t + NBUF - 2, pn)

    for p in range(NBUF):
        store_wait(p)


def kernel(text_ids, numerical_data, structured_data, table,
           nw1, nb1, nw2, nb2, sw1, sb1, sw2, sb2):
    ids_lmajor = text_ids.astype(jnp.int32).T
    out_flat = _sc_encode(
        ids_lmajor,
        jnp.asarray(_PE_NP),
        table,
    )
    out_flat = _write_mlp_tail(
        out_flat,
        numerical_data.reshape(BATCH, 1), structured_data,
        nw1, nb1.reshape(1, -1), nw2, nb2.reshape(1, -1),
        sw1, sb1.reshape(1, -1), sw2, sb2.reshape(1, -1))
    return jnp.swapaxes(out_flat.reshape(SEQ_OUT, BATCH, D), 0, 1)

# --- scband reference (transcript-rebuilt; emitter-appended) ---
"""Pipeline reference for scband-information-encoder-26534307954897 (READ-ONLY COPY).

The authoritative reference and input builder live on the scoring server;
editing this copy changes nothing except your own understanding.
"""

import jax, jax.numpy as jnp
import numpy as np
import math

VOCAB = 100000
D_MODEL = 256
MAX_LEN = 1000


def _pos_encoding(max_len, d_model):
    position = np.arange(0, max_len).astype(np.float32)[:, None]
    div_term = np.exp(np.arange(0, d_model, 2).astype(np.float32) * -(math.log(10000.0) / d_model))
    pe = np.zeros((max_len, d_model), dtype=np.float32)
    pe[:, 0::2] = np.sin(position * div_term)
    pe[:, 1::2] = np.cos(position * div_term)
    return jnp.asarray(pe)[None]  # [1, max_len, d_model]

_PE = _pos_encoding(MAX_LEN, D_MODEL)


def setup_inputs(seed: int = 0) -> dict:
    key = jax.random.key(seed)
    ks = jax.random.split(key, 12)
    B, L = 1024, 200
    text_ids = jax.random.randint(ks[0], (B, L), 0, VOCAB, dtype=jnp.int64 if jax.config.jax_enable_x64 else jnp.int32)
    numerical_data = jax.random.normal(ks[1], (B,), dtype=jnp.float32)
    structured_data = jax.random.normal(ks[2], (B, 10), dtype=jnp.float32)
    table = jax.random.normal(ks[3], (VOCAB, D_MODEL), dtype=jnp.float32)
    h1 = D_MODEL // 4  # 64
    h2 = D_MODEL // 2  # 128
    nw1 = jax.random.uniform(ks[4], (1, h1), minval=-1.0, maxval=1.0, dtype=jnp.float32)
    nb1 = jax.random.uniform(ks[5], (h1,), minval=-1.0, maxval=1.0, dtype=jnp.float32)
    nw2 = jax.random.uniform(ks[6], (h1, D_MODEL), minval=-1.0/math.sqrt(h1), maxval=1.0/math.sqrt(h1), dtype=jnp.float32)
    nb2 = jax.random.uniform(ks[7], (D_MODEL,), minval=-1.0/math.sqrt(h1), maxval=1.0/math.sqrt(h1), dtype=jnp.float32)
    sw1 = jax.random.uniform(ks[8], (10, h2), minval=-1.0/math.sqrt(10), maxval=1.0/math.sqrt(10), dtype=jnp.float32)
    sb1 = jax.random.uniform(ks[9], (h2,), minval=-1.0/math.sqrt(10), maxval=1.0/math.sqrt(10), dtype=jnp.float32)
    sw2 = jax.random.uniform(ks[10], (h2, D_MODEL), minval=-1.0/math.sqrt(h2), maxval=1.0/math.sqrt(h2), dtype=jnp.float32)
    sb2 = jax.random.uniform(ks[11], (D_MODEL,), minval=-1.0/math.sqrt(h2), maxval=1.0/math.sqrt(h2), dtype=jnp.float32)
    return {
        'text_ids': text_ids,
        'numerical_data': numerical_data,
        'structured_data': structured_data,
        'table': table,
        'nw1': nw1, 'nb1': nb1, 'nw2': nw2, 'nb2': nb2,
        'sw1': sw1, 'sb1': sb1, 'sw2': sw2, 'sb2': sb2,
    }


def reference(text_ids, numerical_data, structured_data, table, nw1, nb1, nw2, nb2, sw1, sb1, sw2, sb2):
    # text branch: embedding gather + positional encoding
    text_emb = jnp.take(table, text_ids, axis=0)              # [B, L, d]
    seq_len = text_emb.shape[1]
    text_encoding = text_emb + _PE[:, :seq_len, :]            # [B, L, d]
    # numerical branch: Linear(1, d/4) -> ReLU -> Linear(d/4, d)
    num_in = numerical_data[:, None]                          # [B, 1]
    h = jax.nn.relu(num_in @ nw1 + nb1)                       # [B, d/4]
    num_encoding = (h @ nw2 + nb2)[:, None, :]                # [B, 1, d]
    # structured branch: Linear(10, d/2) -> ReLU -> Linear(d/2, d)
    hs = jax.nn.relu(structured_data @ sw1 + sb1)             # [B, d/2]
    struct_encoding = (hs @ sw2 + sb2)[:, None, :]            # [B, 1, d]
    return jnp.concatenate([text_encoding, num_encoding, struct_encoding], axis=1)  # [B, L+2, d]

if __name__ == "__main__":
    import jax
    _d = setup_inputs()
    print(jax.jit(kernel)(*tuple(_d.values())))

</pallas_src>

<mosaic_0001>
#map = affine_map<(d0, d1) -> (0, 0)>
module attributes {stable_mosaic.version = 14 : i64} {
  func.func @_sc_encode(%arg0: i32, %arg1: i32, %arg2: memref<200x1024xi32, #tpu.memory_space<hbm>>, %arg3: memref<208x256xf32, #tpu.memory_space<hbm>>, %arg4: memref<100000x256xf32, #tpu.memory_space<hbm>>, %arg5: memref<206848x256xf32, #tpu.memory_space<hbm>>, %arg6: memref<16x1024xi32, #tpu.memory_space<vmem>>, %arg7: memref<16x256xf32, #tpu.memory_space<vmem>>, %arg8: memref<64x256xf32, #tpu.memory_space<vmem>>, %arg9: memref<64x256xf32, #tpu.memory_space<vmem>>, %arg10: memref<64x256xf32, #tpu.memory_space<vmem>>, %arg11: memref<64x256xf32, #tpu.memory_space<vmem>>, %arg12: memref<!tpu.dma_semaphore, #tpu.memory_space<semaphore_mem>>, %arg13: memref<!tpu.dma_semaphore, #tpu.memory_space<semaphore_mem>>, %arg14: memref<!tpu.dma_semaphore, #tpu.memory_space<semaphore_mem>>, %arg15: memref<!tpu.dma_semaphore, #tpu.memory_space<semaphore_mem>>, %arg16: memref<!tpu.dma_semaphore, #tpu.memory_space<semaphore_mem>>, %arg17: memref<!tpu.dma_semaphore, #tpu.memory_space<semaphore_mem>>, %arg18: memref<!tpu.dma_semaphore, #tpu.memory_space<semaphore_mem>>, %arg19: memref<!tpu.dma_semaphore, #tpu.memory_space<semaphore_mem>>) attributes {dimension_semantics = [#tpu.dimension_semantics<core_parallel>, #tpu.dimension_semantics<subcore_parallel>], iteration_bounds = array<i64: 2, 16>, scalar_prefetch = 0 : i64, scratch_operands = 14 : i64, tpu.core_type = #tpu.core_type<sc_vector_subcore>, window_params = [{transform_indices = #map}, {transform_indices = #map}, {transform_indices = #map}, {transform_indices = #map}]} {
    %mul3A = arith.constant 2 : i32
    %mul3A_0 = arith.muli %arg1, %mul3A : i32
    %add3A = arith.addi %mul3A_0, %arg0 : i32
    %mul3A_1 = arith.constant 100 : i32
    %mul3A_2 = arith.muli %add3A, %mul3A_1 : i32
    %jit3A = arith.constant 16 : i32
    %div3A = arith.divsi %mul3A_2, %jit3A : i32
    %sign3A = arith.constant 0 : i32
    %sign3A_3 = arith.cmpi sgt, %mul3A_2, %sign3A : i32
    %sign3A_4 = arith.extui %sign3A_3 : i1 to i32
    %sign3A_5 = arith.constant 0 : i32
    %sign3A_6 = arith.cmpi slt, %mul3A_2, %sign3A_5 : i32
    %sign3A_7 = arith.extui %sign3A_6 : i1 to i32
    %sign3A_8 = arith.subi %sign3A_4, %sign3A_7 : i32
    %sign3A_9 = arith.constant 0 : i32
    %sign3A_10 = arith.cmpi sgt, %jit3A, %sign3A_9 : i32
    %sign3A_11 = arith.extui %sign3A_10 : i1 to i32
    %sign3A_12 = arith.constant 0 : i32
    %sign3A_13 = arith.cmpi slt, %jit3A, %sign3A_12 : i32
    %sign3A_14 = arith.extui %sign3A_13 : i1 to i32
    %sign3A_15 = arith.subi %sign3A_11, %sign3A_14 : i32
    %ne3A = arith.cmpi ne, %sign3A_8, %sign3A_15 : i32
    %rem3A = arith.remsi %mul3A_2, %jit3A : i32
    %ne3A_16 = arith.constant 0 : i32
    %ne3A_17 = arith.cmpi ne, %rem3A, %ne3A_16 : i32
    %and3A = arith.andi %ne3A, %ne3A_17 : i1
    %sub3A = arith.constant 1 : i32
    %sub3A_18 = arith.subi %div3A, %sub3A : i32
    %select_n3A = arith.select %and3A, %sub3A_18, %div3A : i32
    %jit3A_19 = arith.constant 8 : i32
    %div3A_20 = arith.divsi %select_n3A, %jit3A_19 : i32
    %sign3A_21 = arith.constant 0 : i32
    %sign3A_22 = arith.cmpi sgt, %select_n3A, %sign3A_21 : i32
    %sign3A_23 = arith.extui %sign3A_22 : i1 to i32
    %sign3A_24 = arith.constant 0 : i32
    %sign3A_25 = arith.cmpi slt, %select_n3A, %sign3A_24 : i32
    %sign3A_26 = arith.extui %sign3A_25 : i1 to i32
    %sign3A_27 = arith.subi %sign3A_23, %sign3A_26 : i32
    %sign3A_28 = arith.constant 0 : i32
    %sign3A_29 = arith.cmpi sgt, %jit3A_19, %sign3A_28 : i32
    %sign3A_30 = arith.extui %sign3A_29 : i1 to i32
    %sign3A_31 = arith.constant 0 : i32
    %sign3A_32 = arith.cmpi slt, %jit3A_19, %sign3A_31 : i32
    %sign3A_33 = arith.extui %sign3A_32 : i1 to i32
    %sign3A_34 = arith.subi %sign3A_30, %sign3A_33 : i32
    %ne3A_35 = arith.cmpi ne, %sign3A_27, %sign3A_34 : i32
    %rem3A_36 = arith.remsi %select_n3A, %jit3A_19 : i32
    %ne3A_37 = arith.constant 0 : i32
    %ne3A_38 = arith.cmpi ne, %rem3A_36, %ne3A_37 : i32
    %and3A_39 = arith.andi %ne3A_35, %ne3A_38 : i1
    %sub3A_40 = arith.constant 1 : i32
    %sub3A_41 = arith.subi %div3A_20, %sub3A_40 : i32
    %select_n3A_42 = arith.select %and3A_39, %sub3A_41, %div3A_20 : i32
    %mul3A_43 = arith.constant 8 : i32
    %mul3A_44 = arith.muli %select_n3A_42, %mul3A_43 : i32
    %min3A = arith.constant 184 : i32
    %min3A_45 = arith.minsi %mul3A_44, %min3A : i32
    %multiple_of3A = tpu.assume_multiple %min3A_45, 8 : i32
    "tpu.region"() ({
      %run_scoped3A = tpu.sem_alloc : memref<!tpu.dma_semaphore, #tpu.memory_space<semaphore_mem>>
      %dma_start3A_174 = arith.constant 0 : i32
      %dma_start3A_175 = tpu.memref_slice %arg2[%multiple_of3A, %dma_start3A_174] : memref<200x1024xi32, #tpu.memory_space<hbm>> -> memref<16x1024xi32, #tpu.memory_space<hbm>>
      %dma_start3A_176 = arith.constant 0 : i32
      %dma_start3A_177 = tpu.memref_slice %arg2[%multiple_of3A, %dma_start3A_176] : memref<200x1024xi32, #tpu.memory_space<hbm>> -> memref<16x1024xi32, #tpu.memory_space<hbm>>
      tpu.enqueue_dma source(%dma_start3A_177 : memref<16x1024xi32, #tpu.memory_space<hbm>>) target(%arg6 : memref<16x1024xi32, #tpu.memory_space<vmem>>) target_semaphore(%run_scoped3A : memref<!tpu.dma_semaphore, #tpu.memory_space<semaphore_mem>>)
      %dma_wait3A_178 = arith.constant 0 : i32
      %dma_wait3A_179 = tpu.memref_slice %arg2[%multiple_of3A, %dma_wait3A_178] : memref<200x1024xi32, #tpu.memory_space<hbm>> -> memref<16x1024xi32, #tpu.memory_space<hbm>>
      %dma_wait3A_180 = arith.constant 0 : i32
      %dma_wait3A_181 = tpu.memref_slice %arg2[%multiple_of3A, %dma_wait3A_180] : memref<200x1024xi32, #tpu.memory_space<hbm>> -> memref<16x1024xi32, #tpu.memory_space<hbm>>
      tpu.wait_dma2 semaphore(%run_scoped3A : memref<!tpu.dma_semaphore, #tpu.memory_space<semaphore_mem>>) src(%dma_wait3A_181 : memref<16x1024xi32, #tpu.memory_space<hbm>>) dst(%arg6 : memref<16x1024xi32, #tpu.memory_space<vmem>>)
      tpu.yield
    }) : () -> ()
    "tpu.region"() ({
      %run_scoped3A = tpu.sem_alloc : memref<!tpu.dma_semaphore, #tpu.memory_space<semaphore_mem>>
      %dma_start3A_174 = arith.constant 0 : i32
      %dma_start3A_175 = tpu.memref_slice %arg3[%multiple_of3A, %dma_start3A_174] : memref<208x256xf32, #tpu.memory_space<hbm>> -> memref<16x256xf32, #tpu.memory_space<hbm>>
      %dma_start3A_176 = arith.constant 0 : i32
      %dma_start3A_177 = tpu.memref_slice %arg3[%multiple_of3A, %dma_start3A_176] : memref<208x256xf32, #tpu.memory_space<hbm>> -> memref<16x256xf32, #tpu.memory_space<hbm>>
      tpu.enqueue_dma source(%dma_start3A_177 : memref<16x256xf32, #tpu.memory_space<hbm>>) target(%arg7 : memref<16x256xf32, #tpu.memory_space<vmem>>) target_semaphore(%run_scoped3A : memref<!tpu.dma_semaphore, #tpu.memory_space<semaphore_mem>>)
      %dma_wait3A_178 = arith.constant 0 : i32
      %dma_wait3A_179 = tpu.memref_slice %arg3[%multiple_of3A, %dma_wait3A_178] : memref<208x256xf32, #tpu.memory_space<hbm>> -> memref<16x256xf32, #tpu.memory_space<hbm>>
      %dma_wait3A_180 = arith.constant 0 : i32
      %dma_wait3A_181 = tpu.memref_slice %arg3[%multiple_of3A, %dma_wait3A_180] : memref<208x256xf32, #tpu.memory_space<hbm>> -> memref<16x256xf32, #tpu.memory_space<hbm>>
      tpu.wait_dma2 semaphore(%run_scoped3A : memref<!tpu.dma_semaphore, #tpu.memory_space<semaphore_mem>>) src(%dma_wait3A_181 : memref<16x256xf32, #tpu.memory_space<hbm>>) dst(%arg7 : memref<16x256xf32, #tpu.memory_space<vmem>>)
      tpu.yield
    }) : () -> ()
    %mul3A_46 = arith.constant 100 : i32
    %mul3A_47 = arith.muli %add3A, %mul3A_46 : i32
    %add3A_48 = arith.constant 0 : i32
    %add3A_49 = arith.addi %mul3A_47, %add3A_48 : i32
    %jit3A_50 = arith.constant 16 : i32
    %div3A_51 = arith.divsi %add3A_49, %jit3A_50 : i32
    %sign3A_52 = arith.constant 0 : i32
    %sign3A_53 = arith.cmpi sgt, %add3A_49, %sign3A_52 : i32
    %sign3A_54 = arith.extui %sign3A_53 : i1 to i32
    %sign3A_55 = arith.constant 0 : i32
    %sign3A_56 = arith.cmpi slt, %add3A_49, %sign3A_55 : i32
    %sign3A_57 = arith.extui %sign3A_56 : i1 to i32
    %sign3A_58 = arith.subi %sign3A_54, %sign3A_57 : i32
    %sign3A_59 = arith.constant 0 : i32
    %sign3A_60 = arith.cmpi sgt, %jit3A_50, %sign3A_59 : i32
    %sign3A_61 = arith.extui %sign3A_60 : i1 to i32
    %sign3A_62 = arith.constant 0 : i32
    %sign3A_63 = arith.cmpi slt, %jit3A_50, %sign3A_62 : i32
    %sign3A_64 = arith.extui %sign3A_63 : i1 to i32
    %sign3A_65 = arith.subi %sign3A_61, %sign3A_64 : i32
    %ne3A_66 = arith.cmpi ne, %sign3A_58, %sign3A_65 : i32
    %rem3A_67 = arith.remsi %add3A_49, %jit3A_50 : i32
    %ne3A_68 = arith.constant 0 : i32
    %ne3A_69 = arith.cmpi ne, %rem3A_67, %ne3A_68 : i32
    %and3A_70 = arith.andi %ne3A_66, %ne3A_69 : i1
    %sub3A_71 = arith.constant 1 : i32
    %sub3A_72 = arith.subi %div3A_51, %sub3A_71 : i32
    %select_n3A_73 = arith.select %and3A_70, %sub3A_72, %div3A_51 : i32
    %sub3A_74 = arith.subi %select_n3A_73, %multiple_of3A : i32
    %jit3A_75 = arith.constant 16 : i32
    %eq3A = arith.constant 0 : i32
    %eq3A_76 = arith.cmpi eq, %jit3A_75, %eq3A : i32
    %jit3A_77 = arith.constant 1 : i32
    %select_n3A_78 = arith.select %eq3A_76, %jit3A_77, %jit3A_75 : i32
    %rem3A_79 = arith.remsi %add3A_49, %select_n3A_78 : i32
    %ne3A_80 = arith.constant 0 : i32
    %ne3A_81 = arith.cmpi ne, %rem3A_79, %ne3A_80 : i32
    %lt3A = arith.constant 0 : i32
    %lt3A_82 = arith.cmpi slt, %rem3A_79, %lt3A : i32
    %lt3A_83 = arith.constant 0 : i32
    %lt3A_84 = arith.cmpi slt, %select_n3A_78, %lt3A_83 : i32
    %ne3A_85 = arith.xori %lt3A_82, %lt3A_84 : i1
    %and3A_86 = arith.andi %ne3A_85, %ne3A_81 : i1
    %add3A_87 = arith.addi %rem3A_79, %select_n3A_78 : i32
    %select_n3A_88 = arith.select %and3A_86, %add3A_87, %rem3A_79 : i32
    %mul3A_89 = arith.constant 64 : i32
    %mul3A_90 = arith.muli %select_n3A_88, %mul3A_89 : i32
    %dma_start3A = tpu.memref_slice %arg6[%sub3A_74, %mul3A_90] : memref<16x1024xi32, #tpu.memory_space<vmem>> -> memref<1x64xi32, #tpu.memory_space<vmem>>
    %dma_start3A_91 = tpu.memref_squeeze %dma_start3A : memref<1x64xi32, #tpu.memory_space<vmem>> -> memref<64xi32, #tpu.memory_space<vmem>>
    %dma_start3A_92 = arith.constant 0 : i32
    %dma_start3A_93 = arith.constant 0 : i32
    %dma_start3A_94 = tpu.memref_slice %arg4[%dma_start3A_92, %dma_start3A_93] : memref<100000x256xf32, #tpu.memory_space<hbm>> -> memref<100000x256xf32, #tpu.memory_space<hbm>>
    tpu.enqueue_indirect_dma source(%dma_start3A_94 : memref<100000x256xf32, #tpu.memory_space<hbm>>) target(%arg8 : memref<64x256xf32, #tpu.memory_space<vmem>>) offsets(%dma_start3A_91 : memref<64xi32, #tpu.memory_space<vmem>>) semaphore(%arg12 : memref<!tpu.dma_semaphore, #tpu.memory_space<semaphore_mem>>)
    %mul3A_95 = arith.constant 100 : i32
    %mul3A_96 = arith.muli %add3A, %mul3A_95 : i32
    %add3A_97 = arith.constant 1 : i32
    %add3A_98 = arith.addi %mul3A_96, %add3A_97 : i32
    %jit3A_99 = arith.constant 16 : i32
    %div3A_100 = arith.divsi %add3A_98, %jit3A_99 : i32
    %sign3A_101 = arith.constant 0 : i32
    %sign3A_102 = arith.cmpi sgt, %add3A_98, %sign3A_101 : i32
    %sign3A_103 = arith.extui %sign3A_102 : i1 to i32
    %sign3A_104 = arith.constant 0 : i32
    %sign3A_105 = arith.cmpi slt, %add3A_98, %sign3A_104 : i32
    %sign3A_106 = arith.extui %sign3A_105 : i1 to i32
    %sign3A_107 = arith.subi %sign3A_103, %sign3A_106 : i32
    %sign3A_108 = arith.constant 0 : i32
    %sign3A_109 = arith.cmpi sgt, %jit3A_99, %sign3A_108 : i32
    %sign3A_110 = arith.extui %sign3A_109 : i1 to i32
    %sign3A_111 = arith.constant 0 : i32
    %sign3A_112 = arith.cmpi slt, %jit3A_99, %sign3A_111 : i32
    %sign3A_113 = arith.extui %sign3A_112 : i1 to i32
    %sign3A_114 = arith.subi %sign3A_110, %sign3A_113 : i32
    %ne3A_115 = arith.cmpi ne, %sign3A_107, %sign3A_114 : i32
    %rem3A_116 = arith.remsi %add3A_98, %jit3A_99 : i32
    %ne3A_117 = arith.constant 0 : i32
    %ne3A_118 = arith.cmpi ne, %rem3A_116, %ne3A_117 : i32
    %and3A_119 = arith.andi %ne3A_115, %ne3A_118 : i1
    %sub3A_120 = arith.constant 1 : i32
    %sub3A_121 = arith.subi %div3A_100, %sub3A_120 : i32
    %select_n3A_122 = arith.select %and3A_119, %sub3A_121, %div3A_100 : i32
    %sub3A_123 = arith.subi %select_n3A_122, %multiple_of3A : i32
    %jit3A_124 = arith.constant 16 : i32
    %eq3A_125 = arith.constant 0 : i32
    %eq3A_126 = arith.cmpi eq, %jit3A_124, %eq3A_125 : i32
    %jit3A_127 = arith.constant 1 : i32
    %select_n3A_128 = arith.select %eq3A_126, %jit3A_127, %jit3A_124 : i32
    %rem3A_129 = arith.remsi %add3A_98, %select_n3A_128 : i32
    %ne3A_130 = arith.constant 0 : i32
    %ne3A_131 = arith.cmpi ne, %rem3A_129, %ne3A_130 : i32
    %lt3A_132 = arith.constant 0 : i32
    %lt3A_133 = arith.cmpi slt, %rem3A_129, %lt3A_132 : i32
    %lt3A_134 = arith.constant 0 : i32
    %lt3A_135 = arith.cmpi slt, %select_n3A_128, %lt3A_134 : i32
    %ne3A_136 = arith.xori %lt3A_133, %lt3A_135 : i1
    %and3A_137 = arith.andi %ne3A_136, %ne3A_131 : i1
    %add3A_138 = arith.addi %rem3A_129, %select_n3A_128 : i32
    %select_n3A_139 = arith.select %and3A_137, %add3A_138, %rem3A_129 : i32
    %mul3A_140 = arith.constant 64 : i32
    %mul3A_141 = arith.muli %select_n3A_139, %mul3A_140 : i32
    %dma_start3A_142 = tpu.memref_slice %arg6[%sub3A_123, %mul3A_141] : memref<16x1024xi32, #tpu.memory_space<vmem>> -> memref<1x64xi32, #tpu.memory_space<vmem>>
    %dma_start3A_143 = tpu.memref_squeeze %dma_start3A_142 : memref<1x64xi32, #tpu.memory_space<vmem>> -> memref<64xi32, #tpu.memory_space<vmem>>
    %dma_start3A_144 = arith.constant 0 : i32
    %dma_start3A_145 = arith.constant 0 : i32
    %dma_start3A_146 = tpu.memref_slice %arg4[%dma_start3A_144, %dma_start3A_145] : memref<100000x256xf32, #tpu.memory_space<hbm>> -> memref<100000x256xf32, #tpu.memory_space<hbm>>
    tpu.enqueue_indirect_dma source(%dma_start3A_146 : memref<100000x256xf32, #tpu.memory_space<hbm>>) target(%arg9 : memref<64x256xf32, #tpu.memory_space<vmem>>) offsets(%dma_start3A_143 : memref<64xi32, #tpu.memory_space<vmem>>) semaphore(%arg13 : memref<!tpu.dma_semaphore, #tpu.memory_space<semaphore_mem>>)
    %scan3A = arith.constant 0 : i32
    %scan3A_147 = arith.constant 25 : i32
    %scan3A_148 = arith.addi %scan3A, %scan3A_147 : i32
    %scan3A_149 = arith.constant 1 : i32
    scf.for %scan3A_174 = %scan3A to %scan3A_148 step %scan3A_149  : i32 {
      %mul3A_175 = arith.constant 1 : i32
      %mul3A_176 = arith.muli %scan3A_174, %mul3A_175 : i32
      %add3A_177 = arith.constant 0 : i32
      %add3A_178 = arith.addi %add3A_177, %mul3A_176 : i32
      %mul3A_179 = arith.constant 4 : i32
      %mul3A_180 = arith.muli %add3A_178, %mul3A_179 : i32
      %add3A_181 = arith.constant 0 : i32
      %add3A_182 = arith.addi %mul3A_180, %add3A_181 : i32
      %mul3A_183 = arith.constant 100 : i32
      %mul3A_184 = arith.muli %add3A, %mul3A_183 : i32
      %add3A_185 = arith.constant 0 : i32
      %add3A_186 = arith.addi %mul3A_184, %add3A_185 : i32
      %jit3A_187 = arith.constant 16 : i32
      %div3A_188 = arith.divsi %add3A_186, %jit3A_187 : i32
      %sign3A_189 = arith.constant 0 : i32
      %sign3A_190 = arith.cmpi sgt, %add3A_186, %sign3A_189 : i32
      %sign3A_191 = arith.extui %sign3A_190 : i1 to i32
      %sign3A_192 = arith.constant 0 : i32
      %sign3A_193 = arith.cmpi slt, %add3A_186, %sign3A_192 : i32
      %sign3A_194 = arith.extui %sign3A_193 : i1 to i32
      %sign3A_195 = arith.subi %sign3A_191, %sign3A_194 : i32
      %sign3A_196 = arith.constant 0 : i32
      %sign3A_197 = arith.cmpi sgt, %jit3A_187, %sign3A_196 : i32
      %sign3A_198 = arith.extui %sign3A_197 : i1 to i32
      %sign3A_199 = arith.constant 0 : i32
      %sign3A_200 = arith.cmpi slt, %jit3A_187, %sign3A_199 : i32
      %sign3A_201 = arith.extui %sign3A_200 : i1 to i32
      %sign3A_202 = arith.subi %sign3A_198, %sign3A_201 : i32
      %ne3A_203 = arith.cmpi ne, %sign3A_195, %sign3A_202 : i32
      %rem3A_204 = arith.remsi %add3A_186, %jit3A_187 : i32
      %ne3A_205 = arith.constant 0 : i32
      %ne3A_206 = arith.cmpi ne, %rem3A_204, %ne3A_205 : i32
      %and3A_207 = arith.andi %ne3A_203, %ne3A_206 : i1
      %sub3A_208 = arith.constant 1 : i32
      %sub3A_209 = arith.subi %div3A_188, %sub3A_208 : i32
      %select_n3A_210 = arith.select %and3A_207, %sub3A_209, %div3A_188 : i32
      %sub3A_211 = arith.subi %select_n3A_210, %multiple_of3A : i32
      %jit3A_212 = arith.constant 16 : i32
      %eq3A_213 = arith.constant 0 : i32
      %eq3A_214 = arith.cmpi eq, %jit3A_212, %eq3A_213 : i32
      %jit3A_215 = arith.constant 1 : i32
      %select_n3A_216 = arith.select %eq3A_214, %jit3A_215, %jit3A_212 : i32
      %rem3A_217 = arith.remsi %add3A_186, %select_n3A_216 : i32
      %ne3A_218 = arith.constant 0 : i32
      %ne3A_219 = arith.cmpi ne, %rem3A_217, %ne3A_218 : i32
      %lt3A_220 = arith.constant 0 : i32
      %lt3A_221 = arith.cmpi slt, %rem3A_217, %lt3A_220 : i32
      %lt3A_222 = arith.constant 0 : i32
      %lt3A_223 = arith.cmpi slt, %select_n3A_216, %lt3A_222 : i32
      %ne3A_224 = arith.xori %lt3A_221, %lt3A_223 : i1
      %and3A_225 = arith.andi %ne3A_224, %ne3A_219 : i1
      %add3A_226 = arith.addi %rem3A_217, %select_n3A_216 : i32
      %select_n3A_227 = arith.select %and3A_225, %add3A_226, %rem3A_217 : i32
      %mul3A_228 = arith.constant 64 : i32
      %mul3A_229 = arith.muli %select_n3A_227, %mul3A_228 : i32
      %dma_wait3A_230 = tpu.memref_slice %arg6[%sub3A_211, %mul3A_229] : memref<16x1024xi32, #tpu.memory_space<vmem>> -> memref<1x64xi32, #tpu.memory_space<vmem>>
      %dma_wait3A_231 = tpu.memref_squeeze %dma_wait3A_230 : memref<1x64xi32, #tpu.memory_space<vmem>> -> memref<64xi32, #tpu.memory_space<vmem>>
      %dma_wait3A_232 = arith.constant 0 : i32
      %dma_wait3A_233 = arith.constant 0 : i32
      %dma_wait3A_234 = tpu.memref_slice %arg4[%dma_wait3A_232, %dma_wait3A_233] : memref<100000x256xf32, #tpu.memory_space<hbm>> -> memref<100000x256xf32, #tpu.memory_space<hbm>>
      tpu.wait_indirect_dma semaphore(%arg12 : memref<!tpu.dma_semaphore, #tpu.memory_space<semaphore_mem>>) src(%dma_wait3A_234 : memref<100000x256xf32, #tpu.memory_space<hbm>>) dst(%arg8 : memref<64x256xf32, #tpu.memory_space<vmem>>)
      %mul3A_235 = arith.constant 100 : i32
      %mul3A_236 = arith.muli %add3A, %mul3A_235 : i32
      %add3A_237 = arith.addi %mul3A_236, %add3A_182 : i32
      %jit3A_238 = arith.constant 16 : i32
      %div3A_239 = arith.divsi %add3A_237, %jit3A_238 : i32
      %sign3A_240 = arith.constant 0 : i32
      %sign3A_241 = arith.cmpi sgt, %add3A_237, %sign3A_240 : i32
      %sign3A_242 = arith.extui %sign3A_241 : i1 to i32
      %sign3A_243 = arith.constant 0 : i32
      %sign3A_244 = arith.cmpi slt, %add3A_237, %sign3A_243 : i32
      %sign3A_245 = arith.extui %sign3A_244 : i1 to i32
      %sign3A_246 = arith.subi %sign3A_242, %sign3A_245 : i32
      %sign3A_247 = arith.constant 0 : i32
      %sign3A_248 = arith.cmpi sgt, %jit3A_238, %sign3A_247 : i32
      %sign3A_249 = arith.extui %sign3A_248 : i1 to i32
      %sign3A_250 = arith.constant 0 : i32
      %sign3A_251 = arith.cmpi slt, %jit3A_238, %sign3A_250 : i32
      %sign3A_252 = arith.extui %sign3A_251 : i1 to i32
      %sign3A_253 = arith.subi %sign3A_249, %sign3A_252 : i32
      %ne3A_254 = arith.cmpi ne, %sign3A_246, %sign3A_253 : i32
      %rem3A_255 = arith.remsi %add3A_237, %jit3A_238 : i32
      %ne3A_256 = arith.constant 0 : i32
      %ne3A_257 = arith.cmpi ne, %rem3A_255, %ne3A_256 : i32
      %and3A_258 = arith.andi %ne3A_254, %ne3A_257 : i1
      %sub3A_259 = arith.constant 1 : i32
      %sub3A_260 = arith.subi %div3A_239, %sub3A_259 : i32
      %select_n3A_261 = arith.select %and3A_258, %sub3A_260, %div3A_239 : i32
      %sub3A_262 = arith.subi %select_n3A_261, %multiple_of3A : i32
      %get3A = arith.index_cast %sub3A_262 : i32 to index
      %get3A_263 = arith.constant 0 : index
      %get3A_264 = tpu.vector_load %arg7[%get3A, %get3A_263] {strides = array<i32>} : memref<16x256xf32, #tpu.memory_space<vmem>>, vector<1x16xf32>,
      %get3A_265 = vector.shape_cast %get3A_264 : vector<1x16xf32> to vector<16xf32>
      %get3A_266 = arith.index_cast %sub3A_262 : i32 to index
      %get3A_267 = arith.constant 16 : index
      %get3A_268 = tpu.vector_load %arg7[%get3A_266, %get3A_267] {strides = array<i32>} : memref<16x256xf32, #tpu.memory_space<vmem>>, vector<1x16xf32>,
      %get3A_269 = vector.shape_cast %get3A_268 : vector<1x16xf32> to vector<16xf32>
      %get3A_270 = arith.index_cast %sub3A_262 : i32 to index
      %get3A_271 = arith.constant 32 : index
      %get3A_272 = tpu.vector_load %arg7[%get3A_270, %get3A_271] {strides = array<i32>} : memref<16x256xf32, #tpu.memory_space<vmem>>, vector<1x16xf32>,
      %get3A_273 = vector.shape_cast %get3A_272 : vector<1x16xf32> to vector<16xf32>
      %get3A_274 = arith.index_cast %sub3A_262 : i32 to index
      %get3A_275 = arith.constant 48 : index
      %get3A_276 = tpu.vector_load %arg7[%get3A_274, %get3A_275] {strides = array<i32>} : memref<16x256xf32, #tpu.memory_space<vmem>>, vector<1x16xf32>,
      %get3A_277 = vector.shape_cast %get3A_276 : vector<1x16xf32> to vector<16xf32>
      %get3A_278 = arith.index_cast %sub3A_262 : i32 to index
      %get3A_279 = arith.constant 64 : index
      %get3A_280 = tpu.vector_load %arg7[%get3A_278, %get3A_279] {strides = array<i32>} : memref<16x256xf32, #tpu.memory_space<vmem>>, vector<1x16xf32>,
      %get3A_281 = vector.shape_cast %get3A_280 : vector<1x16xf32> to vector<16xf32>
      %get3A_282 = arith.index_cast %sub3A_262 : i32 to index
      %get3A_283 = arith.constant 80 : index
      %get3A_284 = tpu.vector_load %arg7[%get3A_282, %get3A_283] {strides = array<i32>} : memref<16x256xf32, #tpu.memory_space<vmem>>, vector<1x16xf32>,
      %get3A_285 = vector.shape_cast %get3A_284 : vector<1x16xf32> to vector<16xf32>
      %get3A_286 = arith.index_cast %sub3A_262 : i32 to index
      %get3A_287 = arith.constant 96 : index
      %get3A_288 = tpu.vector_load %arg7[%get3A_286, %get3A_287] {strides = array<i32>} : memref<16x256xf32, #tpu.memory_space<vmem>>, vector<1x16xf32>,
      %get3A_289 = vector.shape_cast %get3A_288 : vector<1x16xf32> to vector<16xf32>
      %get3A_290 = arith.index_cast %sub3A_262 : i32 to index
      %get3A_291 = arith.constant 112 : index
      %get3A_292 = tpu.vector_load %arg7[%get3A_290, %get3A_291] {strides = array<i32>} : memref<16x256xf32, #tpu.memory_space<vmem>>, vector<1x16xf32>,
      %get3A_293 = vector.shape_cast %get3A_292 : vector<1x16xf32> to vector<16xf32>
      %get3A_294 = arith.index_cast %sub3A_262 : i32 to index
      %get3A_295 = arith.constant 128 : index
      %get3A_296 = tpu.vector_load %arg7[%get3A_294, %get3A_295] {strides = array<i32>} : memref<16x256xf32, #tpu.memory_space<vmem>>, vector<1x16xf32>,
      %get3A_297 = vector.shape_cast %get3A_296 : vector<1x16xf32> to vector<16xf32>
      %get3A_298 = arith.index_cast %sub3A_262 : i32 to index
      %get3A_299 = arith.constant 144 : index
      %get3A_300 = tpu.vector_load %arg7[%get3A_298, %get3A_299] {strides = array<i32>} : memref<16x256xf32, #tpu.memory_space<vmem>>, vector<1x16xf32>,
      %get3A_301 = vector.shape_cast %get3A_300 : vector<1x16xf32> to vector<16xf32>
      %get3A_302 = arith.index_cast %sub3A_262 : i32 to index
      %get3A_303 = arith.constant 160 : index
      %get3A_304 = tpu.vector_load %arg7[%get3A_302, %get3A_303] {strides = array<i32>} : memref<16x256xf32, #tpu.memory_space<vmem>>, vector<1x16xf32>,
      %get3A_305 = vector.shape_cast %get3A_304 : vector<1x16xf32> to vector<16xf32>
      %get3A_306 = arith.index_cast %sub3A_262 : i32 to index
      %get3A_307 = arith.constant 176 : index
      %get3A_308 = tpu.vector_load %arg7[%get3A_306, %get3A_307] {strides = array<i32>} : memref<16x256xf32, #tpu.memory_space<vmem>>, vector<1x16xf32>,
      %get3A_309 = vector.shape_cast %get3A_308 : vector<1x16xf32> to vector<16xf32>
      %get3A_310 = arith.index_cast %sub3A_262 : i32 to index
      %get3A_311 = arith.constant 192 : index
      %get3A_312 = tpu.vector_load %arg7[%get3A_310, %get3A_311] {strides = array<i32>} : memref<16x256xf32, #tpu.memory_space<vmem>>, vector<1x16xf32>,
      %get3A_313 = vector.shape_cast %get3A_312 : vector<1x16xf32> to vector<16xf32>
      %get3A_314 = arith.index_cast %sub3A_262 : i32 to index
      %get3A_315 = arith.constant 208 : index
      %get3A_316 = tpu.vector_load %arg7[%get3A_314, %get3A_315] {strides = array<i32>} : memref<16x256xf32, #tpu.memory_space<vmem>>, vector<1x16xf32>,
      %get3A_317 = vector.shape_cast %get3A_316 : vector<1x16xf32> to vector<16xf32>
      %get3A_318 = arith.index_cast %sub3A_262 : i32 to index
      %get3A_319 = arith.constant 224 : index
      %get3A_320 = tpu.vector_load %arg7[%get3A_318, %get3A_319] {strides = array<i32>} : memref<16x256xf32, #tpu.memory_space<vmem>>, vector<1x16xf32>,
      %get3A_321 = vector.shape_cast %get3A_320 : vector<1x16xf32> to vector<16xf32>
      %get3A_322 = arith.index_cast %sub3A_262 : i32 to index
      %get3A_323 = arith.constant 240 : index
      %get3A_324 = tpu.vector_load %arg7[%get3A_322, %get3A_323] {strides = array<i32>} : memref<16x256xf32, #tpu.memory_space<vmem>>, vector<1x16xf32>,
      %get3A_325 = vector.shape_cast %get3A_324 : vector<1x16xf32> to vector<16xf32>
      %scan3A_326 = arith.constant 0 : i32
      %scan3A_327 = arith.constant 64 : i32
      %scan3A_328 = arith.addi %scan3A_326, %scan3A_327 : i32
      %scan3A_329 = arith.constant 1 : i32
      scf.for %scan3A_858 = %scan3A_326 to %scan3A_328 step %scan3A_329  : i32 {
        %mul3A_859 = arith.constant 1 : i32
        %mul3A_860 = arith.muli %scan3A_858, %mul3A_859 : i32
        %add3A_861 = arith.constant 0 : i32
        %add3A_862 = arith.addi %add3A_861, %mul3A_860 : i32
        %swap3A = arith.index_cast %add3A_862 : i32 to index
        %swap3A_863 = arith.constant 0 : index
        %swap3A_864 = tpu.vector_load %arg8[%swap3A, %swap3A_863] {strides = array<i32>} : memref<64x256xf32, #tpu.memory_space<vmem>>, vector<1x16xf32>,
        %swap3A_865 = vector.shape_cast %swap3A_864 : vector<1x16xf32> to vector<16xf32>
        %swap3A_866 = vector.shape_cast %get3A_265 : vector<16xf32> to vector<1x16xf32>
        tpu.vector_store %arg8[%swap3A, %swap3A_863], %swap3A_866 {add = true, strides = array<i32>} : memref<64x256xf32, #tpu.memory_space<vmem>>, vector<1x16xf32>,
        %swap3A_867 = arith.index_cast %add3A_862 : i32 to index
        %swap3A_868 = arith.constant 16 : index
        %swap3A_869 = tpu.vector_load %arg8[%swap3A_867, %swap3A_868] {strides = array<i32>} : memref<64x256xf32, #tpu.memory_space<vmem>>, vector<1x16xf32>,
        %swap3A_870 = vector.shape_cast %swap3A_869 : vector<1x16xf32> to vector<16xf32>
        %swap3A_871 = vector.shape_cast %get3A_269 : vector<16xf32> to vector<1x16xf32>
        tpu.vector_store %arg8[%swap3A_867, %swap3A_868], %swap3A_871 {add = true, strides = array<i32>} : memref<64x256xf32, #tpu.memory_space<vmem>>, vector<1x16xf32>,
        %swap3A_872 = arith.index_cast %add3A_862 : i32 to index
        %swap3A_873 = arith.constant 32 : index
        %swap3A_874 = tpu.vector_load %arg8[%swap3A_872, %swap3A_873] {strides = array<i32>} : memref<64x256xf32, #tpu.memory_space<vmem>>, vector<1x16xf32>,
        %swap3A_875 = vector.shape_cast %swap3A_874 : vector<1x16xf32> to vector<16xf32>
        %swap3A_876 = vector.shape_cast %get3A_273 : vector<16xf32> to vector<1x16xf32>
        tpu.vector_store %arg8[%swap3A_872, %swap3A_873], %swap3A_876 {add = true, strides = array<i32>} : memref<64x256xf32, #tpu.memory_space<vmem>>, vector<1x16xf32>,
        %swap3A_877 = arith.index_cast %add3A_862 : i32 to index
        %swap3A_878 = arith.constant 48 : index
        %swap3A_879 = tpu.vector_load %arg8[%swap3A_877, %swap3A_878] {strides = array<i32>} : memref<64x256xf32, #tpu.memory_space<vmem>>, vector<1x16xf32>,
        %swap3A_880 = vector.shape_cast %swap3A_879 : vector<1x16xf32> to vector<16xf32>
        %swap3A_881 = vector.shape_cast %get3A_277 : vector<16xf32> to vector<1x16xf32>
        tpu.vector_store %arg8[%swap3A_877, %swap3A_878], %swap3A_881 {add = true, strides = array<i32>} : memref<64x256xf32, #tpu.memory_space<vmem>>, vector<1x16xf32>,
        %swap3A_882 = arith.index_cast %add3A_862 : i32 to index
        %swap3A_883 = arith.constant 64 : index
        %swap3A_884 = tpu.vector_load %arg8[%swap3A_882, %swap3A_883] {strides = array<i32>} : memref<64x256xf32, #tpu.memory_space<vmem>>, vector<1x16xf32>,
        %swap3A_885 = vector.shape_cast %swap3A_884 : vector<1x16xf32> to vector<16xf32>
        %swap3A_886 = vector.shape_cast %get3A_281 : vector<16xf32> to vector<1x16xf32>
        tpu.vector_store %arg8[%swap3A_882, %swap3A_883], %swap3A_886 {add = true, strides = array<i32>} : memref<64x256xf32, #tpu.memory_space<vmem>>, vector<1x16xf32>,
        %swap3A_887 = arith.index_cast %add3A_862 : i32 to index
        %swap3A_888 = arith.constant 80 : index
        %swap3A_889 = tpu.vector_load %arg8[%swap3A_887, %swap3A_888] {strides = array<i32>} : memref<64x256xf32, #tpu.memory_space<vmem>>, vector<1x16xf32>,
        %swap3A_890 = vector.shape_cast %swap3A_889 : vector<1x16xf32> to vector<16xf32>
        %swap3A_891 = vector.shape_cast %get3A_285 : vector<16xf32> to vector<1x16xf32>
        tpu.vector_store %arg8[%swap3A_887, %swap3A_888], %swap3A_891 {add = true, strides = array<i32>} : memref<64x256xf32, #tpu.memory_space<vmem>>, vector<1x16xf32>,
        %swap3A_892 = arith.index_cast %add3A_862 : i32 to index
        %swap3A_893 = arith.constant 96 : index
        %swap3A_894 = tpu.vector_load %arg8[%swap3A_892, %swap3A_893] {strides = array<i32>} : memref<64x256xf32, #tpu.memory_space<vmem>>, vector<1x16xf32>,
        %swap3A_895 = vector.shape_cast %swap3A_894 : vector<1x16xf32> to vector<16xf32>
        %swap3A_896 = vector.shape_cast %get3A_289 : vector<16xf32> to vector<1x16xf32>
        tpu.vector_store %arg8[%swap3A_892, %swap3A_893], %swap3A_896 {add = true, strides = array<i32>} : memref<64x256xf32, #tpu.memory_space<vmem>>, vector<1x16xf32>,
        %swap3A_897 = arith.index_cast %add3A_862 : i32 to index
        %swap3A_898 = arith.constant 112 : index
        %swap3A_899 = tpu.vector_load %arg8[%swap3A_897, %swap3A_898] {strides = array<i32>} : memref<64x256xf32, #tpu.memory_space<vmem>>, vector<1x16xf32>,
        %swap3A_900 = vector.shape_cast %swap3A_899 : vector<1x16xf32> to vector<16xf32>
        %swap3A_901 = vector.shape_cast %get3A_293 : vector<16xf32> to vector<1x16xf32>
        tpu.vector_store %arg8[%swap3A_897, %swap3A_898], %swap3A_901 {add = true, strides = array<i32>} : memref<64x256xf32, #tpu.memory_space<vmem>>, vector<1x16xf32>,
        %swap3A_902 = arith.index_cast %add3A_862 : i32 to index
        %swap3A_903 = arith.constant 128 : index
        %swap3A_904 = tpu.vector_load %arg8[%swap3A_902, %swap3A_903] {strides = array<i32>} : memref<64x256xf32, #tpu.memory_space<vmem>>, vector<1x16xf32>,
        %swap3A_905 = vector.shape_cast %swap3A_904 : vector<1x16xf32> to vector<16xf32>
        %swap3A_906 = vector.shape_cast %get3A_297 : vector<16xf32> to vector<1x16xf32>
        tpu.vector_store %arg8[%swap3A_902, %swap3A_903], %swap3A_906 {add = true, strides = array<i32>} : memref<64x256xf32, #tpu.memory_space<vmem>>, vector<1x16xf32>,
        %swap3A_907 = arith.index_cast %add3A_862 : i32 to index
        %swap3A_908 = arith.constant 144 : index
        %swap3A_909 = tpu.vector_load %arg8[%swap3A_907, %swap3A_908] {strides = array<i32>} : memref<64x256xf32, #tpu.memory_space<vmem>>, vector<1x16xf32>,
        %swap3A_910 = vector.shape_cast %swap3A_909 : vector<1x16xf32> to vector<16xf32>
        %swap3A_911 = vector.shape_cast %get3A_301 : vector<16xf32> to vector<1x16xf32>
        tpu.vector_store %arg8[%swap3A_907, %swap3A_908], %swap3A_911 {add = true, strides = array<i32>} : memref<64x256xf32, #tpu.memory_space<vmem>>, vector<1x16xf32>,
        %swap3A_912 = arith.index_cast %add3A_862 : i32 to index
        %swap3A_913 = arith.constant 160 : index
        %swap3A_914 = tpu.vector_load %arg8[%swap3A_912, %swap3A_913] {strides = array<i32>} : memref<64x256xf32, #tpu.memory_space<vmem>>, vector<1x16xf32>,
        %swap3A_915 = vector.shape_cast %swap3A_914 : vector<1x16xf32> to vector<16xf32>
        %swap3A_916 = vector.shape_cast %get3A_305 : vector<16xf32> to vector<1x16xf32>
        tpu.vector_store %arg8[%swap3A_912, %swap3A_913], %swap3A_916 {add = true, strides = array<i32>} : memref<64x256xf32, #tpu.memory_space<vmem>>, vector<1x16xf32>,
        %swap3A_917 = arith.index_cast %add3A_862 : i32 to index
        %swap3A_918 = arith.constant 176 : index
        %swap3A_919 = tpu.vector_load %arg8[%swap3A_917, %swap3A_918] {strides = array<i32>} : memref<64x256xf32, #tpu.memory_space<vmem>>, vector<1x16xf32>,
        %swap3A_920 = vector.shape_cast %swap3A_919 : vector<1x16xf32> to vector<16xf32>
        %swap3A_921 = vector.shape_cast %get3A_309 : vector<16xf32> to vector<1x16xf32>
        tpu.vector_store %arg8[%swap3A_917, %swap3A_918], %swap3A_921 {add = true, strides = array<i32>} : memref<64x256xf32, #tpu.memory_space<vmem>>, vector<1x16xf32>,
        %swap3A_922 = arith.index_cast %add3A_862 : i32 to index
        %swap3A_923 = arith.constant 192 : index
        %swap3A_924 = tpu.vector_load %arg8[%swap3A_922, %swap3A_923] {strides = array<i32>} : memref<64x256xf32, #tpu.memory_space<vmem>>, vector<1x16xf32>,
        %swap3A_925 = vector.shape_cast %swap3A_924 : vector<1x16xf32> to vector<16xf32>
        %swap3A_926 = vector.shape_cast %get3A_313 : vector<16xf32> to vector<1x16xf32>
        tpu.vector_store %arg8[%swap3A_922, %swap3A_923], %swap3A_926 {add = true, strides = array<i32>} : memref<64x256xf32, #tpu.memory_space<vmem>>, vector<1x16xf32>,
        %swap3A_927 = arith.index_cast %add3A_862 : i32 to index
        %swap3A_928 = arith.constant 208 : index
        %swap3A_929 = tpu.vector_load %arg8[%swap3A_927, %swap3A_928] {strides = array<i32>} : memref<64x256xf32, #tpu.memory_space<vmem>>, vector<1x16xf32>,
        %swap3A_930 = vector.shape_cast %swap3A_929 : vector<1x16xf32> to vector<16xf32>
        %swap3A_931 = vector.shape_cast %get3A_317 : vector<16xf32> to vector<1x16xf32>
        tpu.vector_store %arg8[%swap3A_927, %swap3A_928], %swap3A_931 {add = true, strides = array<i32>} : memref<64x256xf32, #tpu.memory_space<vmem>>, vector<1x16xf32>,
        %swap3A_932 = arith.index_cast %add3A_862 : i32 to index
        %swap3A_933 = arith.constant 224 : index
        %swap3A_934 = tpu.vector_load %arg8[%swap3A_932, %swap3A_933] {strides = array<i32>} : memref<64x256xf32, #tpu.memory_space<vmem>>, vector<1x16xf32>,
        %swap3A_935 = vector.shape_cast %swap3A_934 : vector<1x16xf32> to vector<16xf32>
        %swap3A_936 = vector.shape_cast %get3A_321 : vector<16xf32> to vector<1x16xf32>
        tpu.vector_store %arg8[%swap3A_932, %swap3A_933], %swap3A_936 {add = true, strides = array<i32>} : memref<64x256xf32, #tpu.memory_space<vmem>>, vector<1x16xf32>,
        %swap3A_937 = arith.index_cast %add3A_862 : i32 to index
        %swap3A_938 = arith.constant 240 : index
        %swap3A_939 = tpu.vector_load %arg8[%swap3A_937, %swap3A_938] {strides = array<i32>} : memref<64x256xf32, #tpu.memory_space<vmem>>, vector<1x16xf32>,
        %swap3A_940 = vector.shape_cast %swap3A_939 : vector<1x16xf32> to vector<16xf32>
        %swap3A_941 = vector.shape_cast %get3A_325 : vector<16xf32> to vector<1x16xf32>
        tpu.vector_store %arg8[%swap3A_937, %swap3A_938], %swap3A_941 {add = true, strides = array<i32>} : memref<64x256xf32, #tpu.memory_space<vmem>>, vector<1x16xf32>,
      }
      %scan3A_330 = arith.constant 64 : i32
      %mul3A_331 = arith.constant 100 : i32
      %mul3A_332 = arith.muli %add3A, %mul3A_331 : i32
      %add3A_333 = arith.addi %mul3A_332, %add3A_182 : i32
      %mul3A_334 = arith.constant 64 : i32
      %mul3A_335 = arith.muli %add3A_333, %mul3A_334 : i32
      %multiple_of3A_336 = tpu.assume_multiple %mul3A_335, 64 : i32
      %dma_start3A_337 = arith.constant 0 : i32
      %dma_start3A_338 = tpu.memref_slice %arg5[%multiple_of3A_336, %dma_start3A_337] : memref<206848x256xf32, #tpu.memory_space<hbm>> -> memref<64x256xf32, #tpu.memory_space<hbm>>
      %dma_start3A_339 = arith.constant 0 : i32
      %dma_start3A_340 = tpu.memref_slice %arg5[%multiple_of3A_336, %dma_start3A_339] : memref<206848x256xf32, #tpu.memory_space<hbm>> -> memref<64x256xf32, #tpu.memory_space<hbm>>
      tpu.enqueue_dma source(%arg8 : memref<64x256xf32, #tpu.memory_space<vmem>>) target(%dma_start3A_340 : memref<64x256xf32, #tpu.memory_space<hbm>>) target_semaphore(%arg16 : memref<!tpu.dma_semaphore, #tpu.memory_space<semaphore_mem>>)
      %add3A_341 = arith.constant 4 : i32
      %add3A_342 = arith.addi %add3A_182, %add3A_341 : i32
      %sub3A_343 = arith.constant 2 : i32
      %sub3A_344 = arith.subi %add3A_342, %sub3A_343 : i32
      %lt3A_345 = arith.constant 100 : i32
      %lt3A_346 = arith.cmpi slt, %sub3A_344, %lt3A_345 : i32
      %convert_element_type3A = arith.extui %lt3A_346 : i1 to i32
      %cond3A = arith.constant 0 : i32
      %cond3A_347 = arith.cmpi ne, %convert_element_type3A, %cond3A : i32
      scf.if %cond3A_347 {
        %ge3A = arith.constant 2 : i32
        %ge3A_858 = arith.cmpi sge, %add3A_182, %ge3A : i32
        %convert_element_type3A_859 = arith.extui %ge3A_858 : i1 to i32
        %cond3A_860 = arith.constant 0 : i32
        %cond3A_861 = arith.cmpi ne, %convert_element_type3A_859, %cond3A_860 : i32
        scf.if %cond3A_861 {
          %dma_wait3A_917 = arith.constant 0 : i32
          %dma_wait3A_918 = arith.constant 0 : i32
          %dma_wait3A_919 = tpu.memref_slice %arg5[%dma_wait3A_917, %dma_wait3A_918] : memref<206848x256xf32, #tpu.memory_space<hbm>> -> memref<64x256xf32, #tpu.memory_space<hbm>>
          %dma_wait3A_920 = arith.constant 0 : i32
          %dma_wait3A_921 = arith.constant 0 : i32
          %dma_wait3A_922 = tpu.memref_slice %arg5[%dma_wait3A_920, %dma_wait3A_921] : memref<206848x256xf32, #tpu.memory_space<hbm>> -> memref<64x256xf32, #tpu.memory_space<hbm>>
          tpu.wait_dma2 semaphore(%arg18 : memref<!tpu.dma_semaphore, #tpu.memory_space<semaphore_mem>>) src(%arg10 : memref<64x256xf32, #tpu.memory_space<vmem>>) dst(%dma_wait3A_922 : memref<64x256xf32, #tpu.memory_space<hbm>>)
        } else {
        }
        %add3A_862 = arith.constant 4 : i32
        %add3A_863 = arith.addi %add3A_182, %add3A_862 : i32
        %sub3A_864 = arith.constant 2 : i32
        %sub3A_865 = arith.subi %add3A_863, %sub3A_864 : i32
        %mul3A_866 = arith.constant 100 : i32
        %mul3A_867 = arith.muli %add3A, %mul3A_866 : i32
        %add3A_868 = arith.addi %mul3A_867, %sub3A_865 : i32
        %jit3A_869 = arith.constant 16 : i32
        %div3A_870 = arith.divsi %add3A_868, %jit3A_869 : i32
        %sign3A_871 = arith.constant 0 : i32
        %sign3A_872 = arith.cmpi sgt, %add3A_868, %sign3A_871 : i32
        %sign3A_873 = arith.extui %sign3A_872 : i1 to i32
        %sign3A_874 = arith.constant 0 : i32
        %sign3A_875 = arith.cmpi slt, %add3A_868, %sign3A_874 : i32
        %sign3A_876 = arith.extui %sign3A_875 : i1 to i32
        %sign3A_877 = arith.subi %sign3A_873, %sign3A_876 : i32
        %sign3A_878 = arith.constant 0 : i32
        %sign3A_879 = arith.cmpi sgt, %jit3A_869, %sign3A_878 : i32
        %sign3A_880 = arith.extui %sign3A_879 : i1 to i32
        %sign3A_881 = arith.constant 0 : i32
        %sign3A_882 = arith.cmpi slt, %jit3A_869, %sign3A_881 : i32
        %sign3A_883 = arith.extui %sign3A_882 : i1 to i32
        %sign3A_884 = arith.subi %sign3A_880, %sign3A_883 : i32
        %ne3A_885 = arith.cmpi ne, %sign3A_877, %sign3A_884 : i32
        %rem3A_886 = arith.remsi %add3A_868, %jit3A_869 : i32
        %ne3A_887 = arith.constant 0 : i32
        %ne3A_888 = arith.cmpi ne, %rem3A_886, %ne3A_887 : i32
        %and3A_889 = arith.andi %ne3A_885, %ne3A_888 : i1
        %sub3A_890 = arith.constant 1 : i32
        %sub3A_891 = arith.subi %div3A_870, %sub3A_890 : i32
        %select_n3A_892 = arith.select %and3A_889, %sub3A_891, %div3A_870 : i32
        %sub3A_893 = arith.subi %select_n3A_892, %multiple_of3A : i32
        %jit3A_894 = arith.constant 16 : i32
        %eq3A_895 = arith.constant 0 : i32
        %eq3A_896 = arith.cmpi eq, %jit3A_894, %eq3A_895 : i32
        %jit3A_897 = arith.constant 1 : i32
        %select_n3A_898 = arith.select %eq3A_896, %jit3A_897, %jit3A_894 : i32
        %rem3A_899 = arith.remsi %add3A_868, %select_n3A_898 : i32
        %ne3A_900 = arith.constant 0 : i32
        %ne3A_901 = arith.cmpi ne, %rem3A_899, %ne3A_900 : i32
        %lt3A_902 = arith.constant 0 : i32
        %lt3A_903 = arith.cmpi slt, %rem3A_899, %lt3A_902 : i32
        %lt3A_904 = arith.constant 0 : i32
        %lt3A_905 = arith.cmpi slt, %select_n3A_898, %lt3A_904 : i32
        %ne3A_906 = arith.xori %lt3A_903, %lt3A_905 : i1
        %and3A_907 = arith.andi %ne3A_906, %ne3A_901 : i1
        %add3A_908 = arith.addi %rem3A_899, %select_n3A_898 : i32
        %select_n3A_909 = arith.select %and3A_907, %add3A_908, %rem3A_899 : i32
        %mul3A_910 = arith.constant 64 : i32
        %mul3A_911 = arith.muli %select_n3A_909, %mul3A_910 : i32
        %dma_start3A_912 = tpu.memref_slice %arg6[%sub3A_893, %mul3A_911] : memref<16x1024xi32, #tpu.memory_space<vmem>> -> memref<1x64xi32, #tpu.memory_space<vmem>>
        %dma_start3A_913 = tpu.memref_squeeze %dma_start3A_912 : memref<1x64xi32, #tpu.memory_space<vmem>> -> memref<64xi32, #tpu.memory_space<vmem>>
        %dma_start3A_914 = arith.constant 0 : i32
        %dma_start3A_915 = arith.constant 0 : i32
        %dma_start3A_916 = tpu.memref_slice %arg4[%dma_start3A_914, %dma_start3A_915] : memref<100000x256xf32, #tpu.memory_space<hbm>> -> memref<100000x256xf32, #tpu.memory_space<hbm>>
        tpu.enqueue_indirect_dma source(%dma_start3A_916 : memref<100000x256xf32, #tpu.memory_space<hbm>>) target(%arg10 : memref<64x256xf32, #tpu.memory_space<vmem>>) offsets(%dma_start3A_913 : memref<64xi32, #tpu.memory_space<vmem>>) semaphore(%arg14 : memref<!tpu.dma_semaphore, #tpu.memory_space<semaphore_mem>>)
      } else {
      }
      %add3A_348 = arith.constant 1 : i32
      %add3A_349 = arith.addi %mul3A_180, %add3A_348 : i32
      %mul3A_350 = arith.constant 100 : i32
      %mul3A_351 = arith.muli %add3A, %mul3A_350 : i32
      %add3A_352 = arith.constant 0 : i32
      %add3A_353 = arith.addi %mul3A_351, %add3A_352 : i32
      %jit3A_354 = arith.constant 16 : i32
      %div3A_355 = arith.divsi %add3A_353, %jit3A_354 : i32
      %sign3A_356 = arith.constant 0 : i32
      %sign3A_357 = arith.cmpi sgt, %add3A_353, %sign3A_356 : i32
      %sign3A_358 = arith.extui %sign3A_357 : i1 to i32
      %sign3A_359 = arith.constant 0 : i32
      %sign3A_360 = arith.cmpi slt, %add3A_353, %sign3A_359 : i32
      %sign3A_361 = arith.extui %sign3A_360 : i1 to i32
      %sign3A_362 = arith.subi %sign3A_358, %sign3A_361 : i32
      %sign3A_363 = arith.constant 0 : i32
      %sign3A_364 = arith.cmpi sgt, %jit3A_354, %sign3A_363 : i32
      %sign3A_365 = arith.extui %sign3A_364 : i1 to i32
      %sign3A_366 = arith.constant 0 : i32
      %sign3A_367 = arith.cmpi slt, %jit3A_354, %sign3A_366 : i32
      %sign3A_368 = arith.extui %sign3A_367 : i1 to i32
      %sign3A_369 = arith.subi %sign3A_365, %sign3A_368 : i32
      %ne3A_370 = arith.cmpi ne, %sign3A_362, %sign3A_369 : i32
      %rem3A_371 = arith.remsi %add3A_353, %jit3A_354 : i32
      %ne3A_372 = arith.constant 0 : i32
      %ne3A_373 = arith.cmpi ne, %rem3A_371, %ne3A_372 : i32
      %and3A_374 = arith.andi %ne3A_370, %ne3A_373 : i1
      %sub3A_375 = arith.constant 1 : i32
      %sub3A_376 = arith.subi %div3A_355, %sub3A_375 : i32
      %select_n3A_377 = arith.select %and3A_374, %sub3A_376, %div3A_355 : i32
      %sub3A_378 = arith.subi %select_n3A_377, %multiple_of3A : i32
      %jit3A_379 = arith.constant 16 : i32
      %eq3A_380 = arith.constant 0 : i32
      %eq3A_381 = arith.cmpi eq, %jit3A_379, %eq3A_380 : i32
      %jit3A_382 = arith.constant 1 : i32
      %select_n3A_383 = arith.select %eq3A_381, %jit3A_382, %jit3A_379 : i32
      %rem3A_384 = arith.remsi %add3A_353, %select_n3A_383 : i32
      %ne3A_385 = arith.constant 0 : i32
      %ne3A_386 = arith.cmpi ne, %rem3A_384, %ne3A_385 : i32
      %lt3A_387 = arith.constant 0 : i32
      %lt3A_388 = arith.cmpi slt, %rem3A_384, %lt3A_387 : i32
      %lt3A_389 = arith.constant 0 : i32
      %lt3A_390 = arith.cmpi slt, %select_n3A_383, %lt3A_389 : i32
      %ne3A_391 = arith.xori %lt3A_388, %lt3A_390 : i1
      %and3A_392 = arith.andi %ne3A_391, %ne3A_386 : i1
      %add3A_393 = arith.addi %rem3A_384, %select_n3A_383 : i32
      %select_n3A_394 = arith.select %and3A_392, %add3A_393, %rem3A_384 : i32
      %mul3A_395 = arith.constant 64 : i32
      %mul3A_396 = arith.muli %select_n3A_394, %mul3A_395 : i32
      %dma_wait3A_397 = tpu.memref_slice %arg6[%sub3A_378, %mul3A_396] : memref<16x1024xi32, #tpu.memory_space<vmem>> -> memref<1x64xi32, #tpu.memory_space<vmem>>
      %dma_wait3A_398 = tpu.memref_squeeze %dma_wait3A_397 : memref<1x64xi32, #tpu.memory_space<vmem>> -> memref<64xi32, #tpu.memory_space<vmem>>
      %dma_wait3A_399 = arith.constant 0 : i32
      %dma_wait3A_400 = arith.constant 0 : i32
      %dma_wait3A_401 = tpu.memref_slice %arg4[%dma_wait3A_399, %dma_wait3A_400] : memref<100000x256xf32, #tpu.memory_space<hbm>> -> memref<100000x256xf32, #tpu.memory_space<hbm>>
      tpu.wait_indirect_dma semaphore(%arg13 : memref<!tpu.dma_semaphore, #tpu.memory_space<semaphore_mem>>) src(%dma_wait3A_401 : memref<100000x256xf32, #tpu.memory_space<hbm>>) dst(%arg9 : memref<64x256xf32, #tpu.memory_space<vmem>>)
      %mul3A_402 = arith.constant 100 : i32
      %mul3A_403 = arith.muli %add3A, %mul3A_402 : i32
      %add3A_404 = arith.addi %mul3A_403, %add3A_349 : i32
      %jit3A_405 = arith.constant 16 : i32
      %div3A_406 = arith.divsi %add3A_404, %jit3A_405 : i32
      %sign3A_407 = arith.constant 0 : i32
      %sign3A_408 = arith.cmpi sgt, %add3A_404, %sign3A_407 : i32
      %sign3A_409 = arith.extui %sign3A_408 : i1 to i32
      %sign3A_410 = arith.constant 0 : i32
      %sign3A_411 = arith.cmpi slt, %add3A_404, %sign3A_410 : i32
      %sign3A_412 = arith.extui %sign3A_411 : i1 to i32
      %sign3A_413 = arith.subi %sign3A_409, %sign3A_412 : i32
      %sign3A_414 = arith.constant 0 : i32
      %sign3A_415 = arith.cmpi sgt, %jit3A_405, %sign3A_414 : i32
      %sign3A_416 = arith.extui %sign3A_415 : i1 to i32
      %sign3A_417 = arith.constant 0 : i32
      %sign3A_418 = arith.cmpi slt, %jit3A_405, %sign3A_417 : i32
      %sign3A_419 = arith.extui %sign3A_418 : i1 to i32
      %sign3A_420 = arith.subi %sign3A_416, %sign3A_419 : i32
      %ne3A_421 = arith.cmpi ne, %sign3A_413, %sign3A_420 : i32
      %rem3A_422 = arith.remsi %add3A_404, %jit3A_405 : i32
      %ne3A_423 = arith.constant 0 : i32
      %ne3A_424 = arith.cmpi ne, %rem3A_422, %ne3A_423 : i32
      %and3A_425 = arith.andi %ne3A_421, %ne3A_424 : i1
      %sub3A_426 = arith.constant 1 : i32
      %sub3A_427 = arith.subi %div3A_406, %sub3A_426 : i32
      %select_n3A_428 = arith.select %and3A_425, %sub3A_427, %div3A_406 : i32
      %sub3A_429 = arith.subi %select_n3A_428, %multiple_of3A : i32
      %get3A_430 = arith.index_cast %sub3A_429 : i32 to index
      %get3A_431 = arith.constant 0 : index
      %get3A_432 = tpu.vector_load %arg7[%get3A_430, %get3A_431] {strides = array<i32>} : memref<16x256xf32, #tpu.memory_space<vmem>>, vector<1x16xf32>,
      %get3A_433 = vector.shape_cast %get3A_432 : vector<1x16xf32> to vector<16xf32>
      %get3A_434 = arith.index_cast %sub3A_429 : i32 to index
      %get3A_435 = arith.constant 16 : index
      %get3A_436 = tpu.vector_load %arg7[%get3A_434, %get3A_435] {strides = array<i32>} : memref<16x256xf32, #tpu.memory_space<vmem>>, vector<1x16xf32>,
      %get3A_437 = vector.shape_cast %get3A_436 : vector<1x16xf32> to vector<16xf32>
      %get3A_438 = arith.index_cast %sub3A_429 : i32 to index
      %get3A_439 = arith.constant 32 : index
      %get3A_440 = tpu.vector_load %arg7[%get3A_438, %get3A_439] {strides = array<i32>} : memref<16x256xf32, #tpu.memory_space<vmem>>, vector<1x16xf32>,
      %get3A_441 = vector.shape_cast %get3A_440 : vector<1x16xf32> to vector<16xf32>
      %get3A_442 = arith.index_cast %sub3A_429 : i32 to index
      %get3A_443 = arith.constant 48 : index
      %get3A_444 = tpu.vector_load %arg7[%get3A_442, %get3A_443] {strides = array<i32>} : memref<16x256xf32, #tpu.memory_space<vmem>>, vector<1x16xf32>,
      %get3A_445 = vector.shape_cast %get3A_444 : vector<1x16xf32> to vector<16xf32>
      %get3A_446 = arith.index_cast %sub3A_429 : i32 to index
      %get3A_447 = arith.constant 64 : index
      %get3A_448 = tpu.vector_load %arg7[%get3A_446, %get3A_447] {strides = array<i32>} : memref<16x256xf32, #tpu.memory_space<vmem>>, vector<1x16xf32>,
      %get3A_449 = vector.shape_cast %get3A_448 : vector<1x16xf32> to vector<16xf32>
      %get3A_450 = arith.index_cast %sub3A_429 : i32 to index
      %get3A_451 = arith.constant 80 : index
      %get3A_452 = tpu.vector_load %arg7[%get3A_450, %get3A_451] {strides = array<i32>} : memref<16x256xf32, #tpu.memory_space<vmem>>, vector<1x16xf32>,
      %get3A_453 = vector.shape_cast %get3A_452 : vector<1x16xf32> to vector<16xf32>
      %get3A_454 = arith.index_cast %sub3A_429 : i32 to index
      %get3A_455 = arith.constant 96 : index
      %get3A_456 = tpu.vector_load %arg7[%get3A_454, %get3A_455] {strides = array<i32>} : memref<16x256xf32, #tpu.memory_space<vmem>>, vector<1x16xf32>,
      %get3A_457 = vector.shape_cast %get3A_456 : vector<1x16xf32> to vector<16xf32>
      %get3A_458 = arith.index_cast %sub3A_429 : i32 to index
      %get3A_459 = arith.constant 112 : index
      %get3A_460 = tpu.vector_load %arg7[%get3A_458, %get3A_459] {strides = array<i32>} : memref<16x256xf32, #tpu.memory_space<vmem>>, vector<1x16xf32>,
      %get3A_461 = vector.shape_cast %get3A_460 : vector<1x16xf32> to vector<16xf32>
      %get3A_462 = arith.index_cast %sub3A_429 : i32 to index
      %get3A_463 = arith.constant 128 : index
      %get3A_464 = tpu.vector_load %arg7[%get3A_462, %get3A_463] {strides = array<i32>} : memref<16x256xf32, #tpu.memory_space<vmem>>, vector<1x16xf32>,
      %get3A_465 = vector.shape_cast %get3A_464 : vector<1x16xf32> to vector<16xf32>
      %get3A_466 = arith.index_cast %sub3A_429 : i32 to index
      %get3A_467 = arith.constant 144 : index
      %get3A_468 = tpu.vector_load %arg7[%get3A_466, %get3A_467] {strides = array<i32>} : memref<16x256xf32, #tpu.memory_space<vmem>>, vector<1x16xf32>,
      %get3A_469 = vector.shape_cast %get3A_468 : vector<1x16xf32> to vector<16xf32>
      %get3A_470 = arith.index_cast %sub3A_429 : i32 to index
      %get3A_471 = arith.constant 160 : index
      %get3A_472 = tpu.vector_load %arg7[%get3A_470, %get3A_471] {strides = array<i32>} : memref<16x256xf32, #tpu.memory_space<vmem>>, vector<1x16xf32>,
      %get3A_473 = vector.shape_cast %get3A_472 : vector<1x16xf32> to vector<16xf32>
      %get3A_474 = arith.index_cast %sub3A_429 : i32 to index
      %get3A_475 = arith.constant 176 : index
      %get3A_476 = tpu.vector_load %arg7[%get3A_474, %get3A_475] {strides = array<i32>} : memref<16x256xf32, #tpu.memory_space<vmem>>, vector<1x16xf32>,
      %get3A_477 = vector.shape_cast %get3A_476 : vector<1x16xf32> to vector<16xf32>
      %get3A_478 = arith.index_cast %sub3A_429 : i32 to index
      %get3A_479 = arith.constant 192 : index
      %get3A_480 = tpu.vector_load %arg7[%get3A_478, %get3A_479] {strides = array<i32>} : memref<16x256xf32, #tpu.memory_space<vmem>>, vector<1x16xf32>,
      %get3A_481 = vector.shape_cast %get3A_480 : vector<1x16xf32> to vector<16xf32>
      %get3A_482 = arith.index_cast %sub3A_429 : i32 to index
      %get3A_483 = arith.constant 208 : index
      %get3A_484 = tpu.vector_load %arg7[%get3A_482, %get3A_483] {strides = array<i32>} : memref<16x256xf32, #tpu.memory_space<vmem>>, vector<1x16xf32>,
      %get3A_485 = vector.shape_cast %get3A_484 : vector<1x16xf32> to vector<16xf32>
      %get3A_486 = arith.index_cast %sub3A_429 : i32 to index
      %get3A_487 = arith.constant 224 : index
      %get3A_488 = tpu.vector_load %arg7[%get3A_486, %get3A_487] {strides = array<i32>} : memref<16x256xf32, #tpu.memory_space<vmem>>, vector<1x16xf32>,
      %get3A_489 = vector.shape_cast %get3A_488 : vector<1x16xf32> to vector<16xf32>
      %get3A_490 = arith.index_cast %sub3A_429 : i32 to index
      %get3A_491 = arith.constant 240 : index
      %get3A_492 = tpu.vector_load %arg7[%get3A_490, %get3A_491] {strides = array<i32>} : memref<16x256xf32, #tpu.memory_space<vmem>>, vector<1x16xf32>,
      %get3A_493 = vector.shape_cast %get3A_492 : vector<1x16xf32> to vector<16xf32>
      %scan3A_494 = arith.constant 0 : i32
      %scan3A_495 = arith.constant 64 : i32
      %scan3A_496 = arith.addi %scan3A_494, %scan3A_495 : i32
      %scan3A_497 = arith.constant 1 : i32
      scf.for %scan3A_858 = %scan3A_494 to %scan3A_496 step %scan3A_497  : i32 {
        %mul3A_859 = arith.constant 1 : i32
        %mul3A_860 = arith.muli %scan3A_858, %mul3A_859 : i32
        %add3A_861 = arith.constant 0 : i32
        %add3A_862 = arith.addi %add3A_861, %mul3A_860 : i32
        %swap3A = arith.index_cast %add3A_862 : i32 to index
        %swap3A_863 = arith.constant 0 : index
        %swap3A_864 = tpu.vector_load %arg9[%swap3A, %swap3A_863] {strides = array<i32>} : memref<64x256xf32, #tpu.memory_space<vmem>>, vector<1x16xf32>,
        %swap3A_865 = vector.shape_cast %swap3A_864 : vector<1x16xf32> to vector<16xf32>
        %swap3A_866 = vector.shape_cast %get3A_433 : vector<16xf32> to vector<1x16xf32>
        tpu.vector_store %arg9[%swap3A, %swap3A_863], %swap3A_866 {add = true, strides = array<i32>} : memref<64x256xf32, #tpu.memory_space<vmem>>, vector<1x16xf32>,
        %swap3A_867 = arith.index_cast %add3A_862 : i32 to index
        %swap3A_868 = arith.constant 16 : index
        %swap3A_869 = tpu.vector_load %arg9[%swap3A_867, %swap3A_868] {strides = array<i32>} : memref<64x256xf32, #tpu.memory_space<vmem>>, vector<1x16xf32>,
        %swap3A_870 = vector.shape_cast %swap3A_869 : vector<1x16xf32> to vector<16xf32>
        %swap3A_871 = vector.shape_cast %get3A_437 : vector<16xf32> to vector<1x16xf32>
        tpu.vector_store %arg9[%swap3A_867, %swap3A_868], %swap3A_871 {add = true, strides = array<i32>} : memref<64x256xf32, #tpu.memory_space<vmem>>, vector<1x16xf32>,
        %swap3A_872 = arith.index_cast %add3A_862 : i32 to index
        %swap3A_873 = arith.constant 32 : index
        %swap3A_874 = tpu.vector_load %arg9[%swap3A_872, %swap3A_873] {strides = array<i32>} : memref<64x256xf32, #tpu.memory_space<vmem>>, vector<1x16xf32>,
        %swap3A_875 = vector.shape_cast %swap3A_874 : vector<1x16xf32> to vector<16xf32>
        %swap3A_876 = vector.shape_cast %get3A_441 : vector<16xf32> to vector<1x16xf32>
        tpu.vector_store %arg9[%swap3A_872, %swap3A_873], %swap3A_876 {add = true, strides = array<i32>} : memref<64x256xf32, #tpu.memory_space<vmem>>, vector<1x16xf32>,
        %swap3A_877 = arith.index_cast %add3A_862 : i32 to index
        %swap3A_878 = arith.constant 48 : index
        %swap3A_879 = tpu.vector_load %arg9[%swap3A_877, %swap3A_878] {strides = array<i32>} : memref<64x256xf32, #tpu.memory_space<vmem>>, vector<1x16xf32>,
        %swap3A_880 = vector.shape_cast %swap3A_879 : vector<1x16xf32> to vector<16xf32>
        %swap3A_881 = vector.shape_cast %get3A_445 : vector<16xf32> to vector<1x16xf32>
        tpu.vector_store %arg9[%swap3A_877, %swap3A_878], %swap3A_881 {add = true, strides = array<i32>} : memref<64x256xf32, #tpu.memory_space<vmem>>, vector<1x16xf32>,
        %swap3A_882 = arith.index_cast %add3A_862 : i32 to index
        %swap3A_883 = arith.constant 64 : index
        %swap3A_884 = tpu.vector_load %arg9[%swap3A_882, %swap3A_883] {strides = array<i32>} : memref<64x256xf32, #tpu.memory_space<vmem>>, vector<1x16xf32>,
        %swap3A_885 = vector.shape_cast %swap3A_884 : vector<1x16xf32> to vector<16xf32>
        %swap3A_886 = vector.shape_cast %get3A_449 : vector<16xf32> to vector<1x16xf32>
        tpu.vector_store %arg9[%swap3A_882, %swap3A_883], %swap3A_886 {add = true, strides = array<i32>} : memref<64x256xf32, #tpu.memory_space<vmem>>, vector<1x16xf32>,
        %swap3A_887 = arith.index_cast %add3A_862 : i32 to index
        %swap3A_888 = arith.constant 80 : index
        %swap3A_889 = tpu.vector_load %arg9[%swap3A_887, %swap3A_888] {strides = array<i32>} : memref<64x256xf32, #tpu.memory_space<vmem>>, vector<1x16xf32>,
        %swap3A_890 = vector.shape_cast %swap3A_889 : vector<1x16xf32> to vector<16xf32>
        %swap3A_891 = vector.shape_cast %get3A_453 : vector<16xf32> to vector<1x16xf32>
        tpu.vector_store %arg9[%swap3A_887, %swap3A_888], %swap3A_891 {add = true, strides = array<i32>} : memref<64x256xf32, #tpu.memory_space<vmem>>, vector<1x16xf32>,
        %swap3A_892 = arith.index_cast %add3A_862 : i32 to index
        %swap3A_893 = arith.constant 96 : index
        %swap3A_894 = tpu.vector_load %arg9[%swap3A_892, %swap3A_893] {strides = array<i32>} : memref<64x256xf32, #tpu.memory_space<vmem>>, vector<1x16xf32>,
        %swap3A_895 = vector.shape_cast %swap3A_894 : vector<1x16xf32> to vector<16xf32>
        %swap3A_896 = vector.shape_cast %get3A_457 : vector<16xf32> to vector<1x16xf32>
        tpu.vector_store %arg9[%swap3A_892, %swap3A_893], %swap3A_896 {add = true, strides = array<i32>} : memref<64x256xf32, #tpu.memory_space<vmem>>, vector<1x16xf32>,
        %swap3A_897 = arith.index_cast %add3A_862 : i32 to index
        %swap3A_898 = arith.constant 112 : index
        %swap3A_899 = tpu.vector_load %arg9[%swap3A_897, %swap3A_898] {strides = array<i32>} : memref<64x256xf32, #tpu.memory_space<vmem>>, vector<1x16xf32>,
        %swap3A_900 = vector.shape_cast %swap3A_899 : vector<1x16xf32> to vector<16xf32>
        %swap3A_901 = vector.shape_cast %get3A_461 : vector<16xf32> to vector<1x16xf32>
        tpu.vector_store %arg9[%swap3A_897, %swap3A_898], %swap3A_901 {add = true, strides = array<i32>} : memref<64x256xf32, #tpu.memory_space<vmem>>, vector<1x16xf32>,
        %swap3A_902 = arith.index_cast %add3A_862 : i32 to index
        %swap3A_903 = arith.constant 128 : index
        %swap3A_904 = tpu.vector_load %arg9[%swap3A_902, %swap3A_903] {strides = array<i32>} : memref<64x256xf32, #tpu.memory_space<vmem>>, vector<1x16xf32>,
        %swap3A_905 = vector.shape_cast %swap3A_904 : vector<1x16xf32> to vector<16xf32>
        %swap3A_906 = vector.shape_cast %get3A_465 : vector<16xf32> to vector<1x16xf32>
        tpu.vector_store %arg9[%swap3A_902, %swap3A_903], %swap3A_906 {add = true, strides = array<i32>} : memref<64x256xf32, #tpu.memory_space<vmem>>, vector<1x16xf32>,
        %swap3A_907 = arith.index_cast %add3A_862 : i32 to index
        %swap3A_908 = arith.constant 144 : index
        %swap3A_909 = tpu.vector_load %arg9[%swap3A_907, %swap3A_908] {strides = array<i32>} : memref<64x256xf32, #tpu.memory_space<vmem>>, vector<1x16xf32>,
        %swap3A_910 = vector.shape_cast %swap3A_909 : vector<1x16xf32> to vector<16xf32>
        %swap3A_911 = vector.shape_cast %get3A_469 : vector<16xf32> to vector<1x16xf32>
        tpu.vector_store %arg9[%swap3A_907, %swap3A_908], %swap3A_911 {add = true, strides = array<i32>} : memref<64x256xf32, #tpu.memory_space<vmem>>, vector<1x16xf32>,
        %swap3A_912 = arith.index_cast %add3A_862 : i32 to index
        %swap3A_913 = arith.constant 160 : index
        %swap3A_914 = tpu.vector_load %arg9[%swap3A_912, %swap3A_913] {strides = array<i32>} : memref<64x256xf32, #tpu.memory_space<vmem>>, vector<1x16xf32>,
        %swap3A_915 = vector.shape_cast %swap3A_914 : vector<1x16xf32> to vector<16xf32>
        %swap3A_916 = vector.shape_cast %get3A_473 : vector<16xf32> to vector<1x16xf32>
        tpu.vector_store %arg9[%swap3A_912, %swap3A_913], %swap3A_916 {add = true, strides = array<i32>} : memref<64x256xf32, #tpu.memory_space<vmem>>, vector<1x16xf32>,
        %swap3A_917 = arith.index_cast %add3A_862 : i32 to index
        %swap3A_918 = arith.constant 176 : index
        %swap3A_919 = tpu.vector_load %arg9[%swap3A_917, %swap3A_918] {strides = array<i32>} : memref<64x256xf32, #tpu.memory_space<vmem>>, vector<1x16xf32>,
        %swap3A_920 = vector.shape_cast %swap3A_919 : vector<1x16xf32> to vector<16xf32>
        %swap3A_921 = vector.shape_cast %get3A_477 : vector<16xf32> to vector<1x16xf32>
        tpu.vector_store %arg9[%swap3A_917, %swap3A_918], %swap3A_921 {add = true, strides = array<i32>} : memref<64x256xf32, #tpu.memory_space<vmem>>, vector<1x16xf32>,
        %swap3A_922 = arith.index_cast %add3A_862 : i32 to index
        %swap3A_923 = arith.constant 192 : index
        %swap3A_924 = tpu.vector_load %arg9[%swap3A_922, %swap3A_923] {strides = array<i32>} : memref<64x256xf32, #tpu.memory_space<vmem>>, vector<1x16xf32>,
        %swap3A_925 = vector.shape_cast %swap3A_924 : vector<1x16xf32> to vector<16xf32>
        %swap3A_926 = vector.shape_cast %get3A_481 : vector<16xf32> to vector<1x16xf32>
        tpu.vector_store %arg9[%swap3A_922, %swap3A_923], %swap3A_926 {add = true, strides = array<i32>} : memref<64x256xf32, #tpu.memory_space<vmem>>, vector<1x16xf32>,
        %swap3A_927 = arith.index_cast %add3A_862 : i32 to index
        %swap3A_928 = arith.constant 208 : index
        %swap3A_929 = tpu.vector_load %arg9[%swap3A_927, %swap3A_928] {strides = array<i32>} : memref<64x256xf32, #tpu.memory_space<vmem>>, vector<1x16xf32>,
        %swap3A_930 = vector.shape_cast %swap3A_929 : vector<1x16xf32> to vector<16xf32>
        %swap3A_931 = vector.shape_cast %get3A_485 : vector<16xf32> to vector<1x16xf32>
        tpu.vector_store %arg9[%swap3A_927, %swap3A_928], %swap3A_931 {add = true, strides = array<i32>} : memref<64x256xf32, #tpu.memory_space<vmem>>, vector<1x16xf32>,
        %swap3A_932 = arith.index_cast %add3A_862 : i32 to index
        %swap3A_933 = arith.constant 224 : index
        %swap3A_934 = tpu.vector_load %arg9[%swap3A_932, %swap3A_933] {strides = array<i32>} : memref<64x256xf32, #tpu.memory_space<vmem>>, vector<1x16xf32>,
        %swap3A_935 = vector.shape_cast %swap3A_934 : vector<1x16xf32> to vector<16xf32>
        %swap3A_936 = vector.shape_cast %get3A_489 : vector<16xf32> to vector<1x16xf32>
        tpu.vector_store %arg9[%swap3A_932, %swap3A_933], %swap3A_936 {add = true, strides = array<i32>} : memref<64x256xf32, #tpu.memory_space<vmem>>, vector<1x16xf32>,
        %swap3A_937 = arith.index_cast %add3A_862 : i32 to index
        %swap3A_938 = arith.constant 240 : index
        %swap3A_939 = tpu.vector_load %arg9[%swap3A_937, %swap3A_938] {strides = array<i32>} : memref<64x256xf32, #tpu.memory_space<vmem>>, vector<1x16xf32>,
        %swap3A_940 = vector.shape_cast %swap3A_939 : vector<1x16xf32> to vector<16xf32>
        %swap3A_941 = vector.shape_cast %get3A_493 : vector<16xf32> to vector<1x16xf32>
        tpu.vector_store %arg9[%swap3A_937, %swap3A_938], %swap3A_941 {add = true, strides = array<i32>} : memref<64x256xf32, #tpu.memory_space<vmem>>, vector<1x16xf32>,
      }
      %scan3A_498 = arith.constant 64 : i32
      %mul3A_499 = arith.constant 100 : i32
      %mul3A_500 = arith.muli %add3A, %mul3A_499 : i32
      %add3A_501 = arith.addi %mul3A_500, %add3A_349 : i32
      %mul3A_502 = arith.constant 64 : i32
      %mul3A_503 = arith.muli %add3A_501, %mul3A_502 : i32
      %multiple_of3A_504 = tpu.assume_multiple %mul3A_503, 64 : i32
      %dma_start3A_505 = arith.constant 0 : i32
      %dma_start3A_506 = tpu.memref_slice %arg5[%multiple_of3A_504, %dma_start3A_505] : memref<206848x256xf32, #tpu.memory_space<hbm>> -> memref<64x256xf32, #tpu.memory_space<hbm>>
      %dma_start3A_507 = arith.constant 0 : i32
      %dma_start3A_508 = tpu.memref_slice %arg5[%multiple_of3A_504, %dma_start3A_507] : memref<206848x256xf32, #tpu.memory_space<hbm>> -> memref<64x256xf32, #tpu.memory_space<hbm>>
      tpu.enqueue_dma source(%arg9 : memref<64x256xf32, #tpu.memory_space<vmem>>) target(%dma_start3A_508 : memref<64x256xf32, #tpu.memory_space<hbm>>) target_semaphore(%arg17 : memref<!tpu.dma_semaphore, #tpu.memory_space<semaphore_mem>>)
      %add3A_509 = arith.constant 4 : i32
      %add3A_510 = arith.addi %add3A_349, %add3A_509 : i32
      %sub3A_511 = arith.constant 2 : i32
      %sub3A_512 = arith.subi %add3A_510, %sub3A_511 : i32
      %lt3A_513 = arith.constant 100 : i32
      %lt3A_514 = arith.cmpi slt, %sub3A_512, %lt3A_513 : i32
      %convert_element_type3A_515 = arith.extui %lt3A_514 : i1 to i32
      %cond3A_516 = arith.constant 0 : i32
      %cond3A_517 = arith.cmpi ne, %convert_element_type3A_515, %cond3A_516 : i32
      scf.if %cond3A_517 {
        %ge3A = arith.constant 2 : i32
        %ge3A_858 = arith.cmpi sge, %add3A_349, %ge3A : i32
        %convert_element_type3A_859 = arith.extui %ge3A_858 : i1 to i32
        %cond3A_860 = arith.constant 0 : i32
        %cond3A_861 = arith.cmpi ne, %convert_element_type3A_859, %cond3A_860 : i32
        scf.if %cond3A_861 {
          %dma_wait3A_917 = arith.constant 0 : i32
          %dma_wait3A_918 = arith.constant 0 : i32
          %dma_wait3A_919 = tpu.memref_slice %arg5[%dma_wait3A_917, %dma_wait3A_918] : memref<206848x256xf32, #tpu.memory_space<hbm>> -> memref<64x256xf32, #tpu.memory_space<hbm>>
          %dma_wait3A_920 = arith.constant 0 : i32
          %dma_wait3A_921 = arith.constant 0 : i32
          %dma_wait3A_922 = tpu.memref_slice %arg5[%dma_wait3A_920, %dma_wait3A_921] : memref<206848x256xf32, #tpu.memory_space<hbm>> -> memref<64x256xf32, #tpu.memory_space<hbm>>
          tpu.wait_dma2 semaphore(%arg19 : memref<!tpu.dma_semaphore, #tpu.memory_space<semaphore_mem>>) src(%arg11 : memref<64x256xf32, #tpu.memory_space<vmem>>) dst(%dma_wait3A_922 : memref<64x256xf32, #tpu.memory_space<hbm>>)
        } else {
        }
        %add3A_862 = arith.constant 4 : i32
        %add3A_863 = arith.addi %add3A_349, %add3A_862 : i32
        %sub3A_864 = arith.constant 2 : i32
        %sub3A_865 = arith.subi %add3A_863, %sub3A_864 : i32
        %mul3A_866 = arith.constant 100 : i32
        %mul3A_867 = arith.muli %add3A, %mul3A_866 : i32
        %add3A_868 = arith.addi %mul3A_867, %sub3A_865 : i32
        %jit3A_869 = arith.constant 16 : i32
        %div3A_870 = arith.divsi %add3A_868, %jit3A_869 : i32
        %sign3A_871 = arith.constant 0 : i32
        %sign3A_872 = arith.cmpi sgt, %add3A_868, %sign3A_871 : i32
        %sign3A_873 = arith.extui %sign3A_872 : i1 to i32
        %sign3A_874 = arith.constant 0 : i32
        %sign3A_875 = arith.cmpi slt, %add3A_868, %sign3A_874 : i32
        %sign3A_876 = arith.extui %sign3A_875 : i1 to i32
        %sign3A_877 = arith.subi %sign3A_873, %sign3A_876 : i32
        %sign3A_878 = arith.constant 0 : i32
        %sign3A_879 = arith.cmpi sgt, %jit3A_869, %sign3A_878 : i32
        %sign3A_880 = arith.extui %sign3A_879 : i1 to i32
        %sign3A_881 = arith.constant 0 : i32
        %sign3A_882 = arith.cmpi slt, %jit3A_869, %sign3A_881 : i32
        %sign3A_883 = arith.extui %sign3A_882 : i1 to i32
        %sign3A_884 = arith.subi %sign3A_880, %sign3A_883 : i32
        %ne3A_885 = arith.cmpi ne, %sign3A_877, %sign3A_884 : i32
        %rem3A_886 = arith.remsi %add3A_868, %jit3A_869 : i32
        %ne3A_887 = arith.constant 0 : i32
        %ne3A_888 = arith.cmpi ne, %rem3A_886, %ne3A_887 : i32
        %and3A_889 = arith.andi %ne3A_885, %ne3A_888 : i1
        %sub3A_890 = arith.constant 1 : i32
        %sub3A_891 = arith.subi %div3A_870, %sub3A_890 : i32
        %select_n3A_892 = arith.select %and3A_889, %sub3A_891, %div3A_870 : i32
        %sub3A_893 = arith.subi %select_n3A_892, %multiple_of3A : i32
        %jit3A_894 = arith.constant 16 : i32
        %eq3A_895 = arith.constant 0 : i32
        %eq3A_896 = arith.cmpi eq, %jit3A_894, %eq3A_895 : i32
        %jit3A_897 = arith.constant 1 : i32
        %select_n3A_898 = arith.select %eq3A_896, %jit3A_897, %jit3A_894 : i32
        %rem3A_899 = arith.remsi %add3A_868, %select_n3A_898 : i32
        %ne3A_900 = arith.constant 0 : i32
        %ne3A_901 = arith.cmpi ne, %rem3A_899, %ne3A_900 : i32
        %lt3A_902 = arith.constant 0 : i32
        %lt3A_903 = arith.cmpi slt, %rem3A_899, %lt3A_902 : i32
        %lt3A_904 = arith.constant 0 : i32
        %lt3A_905 = arith.cmpi slt, %select_n3A_898, %lt3A_904 : i32
        %ne3A_906 = arith.xori %lt3A_903, %lt3A_905 : i1
        %and3A_907 = arith.andi %ne3A_906, %ne3A_901 : i1
        %add3A_908 = arith.addi %rem3A_899, %select_n3A_898 : i32
        %select_n3A_909 = arith.select %and3A_907, %add3A_908, %rem3A_899 : i32
        %mul3A_910 = arith.constant 64 : i32
        %mul3A_911 = arith.muli %select_n3A_909, %mul3A_910 : i32
        %dma_start3A_912 = tpu.memref_slice %arg6[%sub3A_893, %mul3A_911] : memref<16x1024xi32, #tpu.memory_space<vmem>> -> memref<1x64xi32, #tpu.memory_space<vmem>>
        %dma_start3A_913 = tpu.memref_squeeze %dma_start3A_912 : memref<1x64xi32, #tpu.memory_space<vmem>> -> memref<64xi32, #tpu.memory_space<vmem>>
        %dma_start3A_914 = arith.constant 0 : i32
        %dma_start3A_915 = arith.constant 0 : i32
        %dma_start3A_916 = tpu.memref_slice %arg4[%dma_start3A_914, %dma_start3A_915] : memref<100000x256xf32, #tpu.memory_space<hbm>> -> memref<100000x256xf32, #tpu.memory_space<hbm>>
        tpu.enqueue_indirect_dma source(%dma_start3A_916 : memref<100000x256xf32, #tpu.memory_space<hbm>>) target(%arg11 : memref<64x256xf32, #tpu.memory_space<vmem>>) offsets(%dma_start3A_913 : memref<64xi32, #tpu.memory_space<vmem>>) semaphore(%arg15 : memref<!tpu.dma_semaphore, #tpu.memory_space<semaphore_mem>>)
      } else {
      }
      %add3A_518 = arith.constant 2 : i32
      %add3A_519 = arith.addi %mul3A_180, %add3A_518 : i32
      %mul3A_520 = arith.constant 100 : i32
      %mul3A_521 = arith.muli %add3A, %mul3A_520 : i32
      %add3A_522 = arith.constant 0 : i32
      %add3A_523 = arith.addi %mul3A_521, %add3A_522 : i32
      %jit3A_524 = arith.constant 16 : i32
      %div3A_525 = arith.divsi %add3A_523, %jit3A_524 : i32
      %sign3A_526 = arith.constant 0 : i32
      %sign3A_527 = arith.cmpi sgt, %add3A_523, %sign3A_526 : i32
      %sign3A_528 = arith.extui %sign3A_527 : i1 to i32
      %sign3A_529 = arith.constant 0 : i32
      %sign3A_530 = arith.cmpi slt, %add3A_523, %sign3A_529 : i32
      %sign3A_531 = arith.extui %sign3A_530 : i1 to i32
      %sign3A_532 = arith.subi %sign3A_528, %sign3A_531 : i32
      %sign3A_533 = arith.constant 0 : i32
      %sign3A_534 = arith.cmpi sgt, %jit3A_524, %sign3A_533 : i32
      %sign3A_535 = arith.extui %sign3A_534 : i1 to i32
      %sign3A_536 = arith.constant 0 : i32
      %sign3A_537 = arith.cmpi slt, %jit3A_524, %sign3A_536 : i32
      %sign3A_538 = arith.extui %sign3A_537 : i1 to i32
      %sign3A_539 = arith.subi %sign3A_535, %sign3A_538 : i32
      %ne3A_540 = arith.cmpi ne, %sign3A_532, %sign3A_539 : i32
      %rem3A_541 = arith.remsi %add3A_523, %jit3A_524 : i32
      %ne3A_542 = arith.constant 0 : i32
      %ne3A_543 = arith.cmpi ne, %rem3A_541, %ne3A_542 : i32
      %and3A_544 = arith.andi %ne3A_540, %ne3A_543 : i1
      %sub3A_545 = arith.constant 1 : i32
      %sub3A_546 = arith.subi %div3A_525, %sub3A_545 : i32
      %select_n3A_547 = arith.select %and3A_544, %sub3A_546, %div3A_525 : i32
      %sub3A_548 = arith.subi %select_n3A_547, %multiple_of3A : i32
      %jit3A_549 = arith.constant 16 : i32
      %eq3A_550 = arith.constant 0 : i32
      %eq3A_551 = arith.cmpi eq, %jit3A_549, %eq3A_550 : i32
      %jit3A_552 = arith.constant 1 : i32
      %select_n3A_553 = arith.select %eq3A_551, %jit3A_552, %jit3A_549 : i32
      %rem3A_554 = arith.remsi %add3A_523, %select_n3A_553 : i32
      %ne3A_555 = arith.constant 0 : i32
      %ne3A_556 = arith.cmpi ne, %rem3A_554, %ne3A_555 : i32
      %lt3A_557 = arith.constant 0 : i32
      %lt3A_558 = arith.cmpi slt, %rem3A_554, %lt3A_557 : i32
      %lt3A_559 = arith.constant 0 : i32
      %lt3A_560 = arith.cmpi slt, %select_n3A_553, %lt3A_559 : i32
      %ne3A_561 = arith.xori %lt3A_558, %lt3A_560 : i1
      %and3A_562 = arith.andi %ne3A_561, %ne3A_556 : i1
      %add3A_563 = arith.addi %rem3A_554, %select_n3A_553 : i32
      %select_n3A_564 = arith.select %and3A_562, %add3A_563, %rem3A_554 : i32
      %mul3A_565 = arith.constant 64 : i32
      %mul3A_566 = arith.muli %select_n3A_564, %mul3A_565 : i32
      %dma_wait3A_567 = tpu.memref_slice %arg6[%sub3A_548, %mul3A_566] : memref<16x1024xi32, #tpu.memory_space<vmem>> -> memref<1x64xi32, #tpu.memory_space<vmem>>
      %dma_wait3A_568 = tpu.memref_squeeze %dma_wait3A_567 : memref<1x64xi32, #tpu.memory_space<vmem>> -> memref<64xi32, #tpu.memory_space<vmem>>
      %dma_wait3A_569 = arith.constant 0 : i32
      %dma_wait3A_570 = arith.constant 0 : i32
      %dma_wait3A_571 = tpu.memref_slice %arg4[%dma_wait3A_569, %dma_wait3A_570] : memref<100000x256xf32, #tpu.memory_space<hbm>> -> memref<100000x256xf32, #tpu.memory_space<hbm>>
      tpu.wait_indirect_dma semaphore(%arg14 : memref<!tpu.dma_semaphore, #tpu.memory_space<semaphore_mem>>) src(%dma_wait3A_571 : memref<100000x256xf32, #tpu.memory_space<hbm>>) dst(%arg10 : memref<64x256xf32, #tpu.memory_space<vmem>>)
      %mul3A_572 = arith.constant 100 : i32
      %mul3A_573 = arith.muli %add3A, %mul3A_572 : i32
      %add3A_574 = arith.addi %mul3A_573, %add3A_519 : i32
      %jit3A_575 = arith.constant 16 : i32
      %div3A_576 = arith.divsi %add3A_574, %jit3A_575 : i32
      %sign3A_577 = arith.constant 0 : i32
      %sign3A_578 = arith.cmpi sgt, %add3A_574, %sign3A_577 : i32
      %sign3A_579 = arith.extui %sign3A_578 : i1 to i32
      %sign3A_580 = arith.constant 0 : i32
      %sign3A_581 = arith.cmpi slt, %add3A_574, %sign3A_580 : i32
      %sign3A_582 = arith.extui %sign3A_581 : i1 to i32
      %sign3A_583 = arith.subi %sign3A_579, %sign3A_582 : i32
      %sign3A_584 = arith.constant 0 : i32
      %sign3A_585 = arith.cmpi sgt, %jit3A_575, %sign3A_584 : i32
      %sign3A_586 = arith.extui %sign3A_585 : i1 to i32
      %sign3A_587 = arith.constant 0 : i32
      %sign3A_588 = arith.cmpi slt, %jit3A_575, %sign3A_587 : i32
      %sign3A_589 = arith.extui %sign3A_588 : i1 to i32
      %sign3A_590 = arith.subi %sign3A_586, %sign3A_589 : i32
      %ne3A_591 = arith.cmpi ne, %sign3A_583, %sign3A_590 : i32
      %rem3A_592 = arith.remsi %add3A_574, %jit3A_575 : i32
      %ne3A_593 = arith.constant 0 : i32
      %ne3A_594 = arith.cmpi ne, %rem3A_592, %ne3A_593 : i32
      %and3A_595 = arith.andi %ne3A_591, %ne3A_594 : i1
      %sub3A_596 = arith.constant 1 : i32
      %sub3A_597 = arith.subi %div3A_576, %sub3A_596 : i32
      %select_n3A_598 = arith.select %and3A_595, %sub3A_597, %div3A_576 : i32
      %sub3A_599 = arith.subi %select_n3A_598, %multiple_of3A : i32
      %get3A_600 = arith.index_cast %sub3A_599 : i32 to index
      %get3A_601 = arith.constant 0 : index
      %get3A_602 = tpu.vector_load %arg7[%get3A_600, %get3A_601] {strides = array<i32>} : memref<16x256xf32, #tpu.memory_space<vmem>>, vector<1x16xf32>,
      %get3A_603 = vector.shape_cast %get3A_602 : vector<1x16xf32> to vector<16xf32>
      %get3A_604 = arith.index_cast %sub3A_599 : i32 to index
      %get3A_605 = arith.constant 16 : index
      %get3A_606 = tpu.vector_load %arg7[%get3A_604, %get3A_605] {strides = array<i32>} : memref<16x256xf32, #tpu.memory_space<vmem>>, vector<1x16xf32>,
      %get3A_607 = vector.shape_cast %get3A_606 : vector<1x16xf32> to vector<16xf32>
      %get3A_608 = arith.index_cast %sub3A_599 : i32 to index
      %get3A_609 = arith.constant 32 : index
      %get3A_610 = tpu.vector_load %arg7[%get3A_608, %get3A_609] {strides = array<i32>} : memref<16x256xf32, #tpu.memory_space<vmem>>, vector<1x16xf32>,
      %get3A_611 = vector.shape_cast %get3A_610 : vector<1x16xf32> to vector<16xf32>
      %get3A_612 = arith.index_cast %sub3A_599 : i32 to index
      %get3A_613 = arith.constant 48 : index
      %get3A_614 = tpu.vector_load %arg7[%get3A_612, %get3A_613] {strides = array<i32>} : memref<16x256xf32, #tpu.memory_space<vmem>>, vector<1x16xf32>,
      %get3A_615 = vector.shape_cast %get3A_614 : vector<1x16xf32> to vector<16xf32>
      %get3A_616 = arith.index_cast %sub3A_599 : i32 to index
      %get3A_617 = arith.constant 64 : index
      %get3A_618 = tpu.vector_load %arg7[%get3A_616, %get3A_617] {strides = array<i32>} : memref<16x256xf32, #tpu.memory_space<vmem>>, vector<1x16xf32>,
      %get3A_619 = vector.shape_cast %get3A_618 : vector<1x16xf32> to vector<16xf32>
      %get3A_620 = arith.index_cast %sub3A_599 : i32 to index
      %get3A_621 = arith.constant 80 : index
      %get3A_622 = tpu.vector_load %arg7[%get3A_620, %get3A_621] {strides = array<i32>} : memref<16x256xf32, #tpu.memory_space<vmem>>, vector<1x16xf32>,
      %get3A_623 = vector.shape_cast %get3A_622 : vector<1x16xf32> to vector<16xf32>
      %get3A_624 = arith.index_cast %sub3A_599 : i32 to index
      %get3A_625 = arith.constant 96 : index
      %get3A_626 = tpu.vector_load %arg7[%get3A_624, %get3A_625] {strides = array<i32>} : memref<16x256xf32, #tpu.memory_space<vmem>>, vector<1x16xf32>,
      %get3A_627 = vector.shape_cast %get3A_626 : vector<1x16xf32> to vector<16xf32>
      %get3A_628 = arith.index_cast %sub3A_599 : i32 to index
      %get3A_629 = arith.constant 112 : index
      %get3A_630 = tpu.vector_load %arg7[%get3A_628, %get3A_629] {strides = array<i32>} : memref<16x256xf32, #tpu.memory_space<vmem>>, vector<1x16xf32>,
      %get3A_631 = vector.shape_cast %get3A_630 : vector<1x16xf32> to vector<16xf32>
      %get3A_632 = arith.index_cast %sub3A_599 : i32 to index
      %get3A_633 = arith.constant 128 : index
      %get3A_634 = tpu.vector_load %arg7[%get3A_632, %get3A_633] {strides = array<i32>} : memref<16x256xf32, #tpu.memory_space<vmem>>, vector<1x16xf32>,
      %get3A_635 = vector.shape_cast %get3A_634 : vector<1x16xf32> to vector<16xf32>
      %get3A_636 = arith.index_cast %sub3A_599 : i32 to index
      %get3A_637 = arith.constant 144 : index
      %get3A_638 = tpu.vector_load %arg7[%get3A_636, %get3A_637] {strides = array<i32>} : memref<16x256xf32, #tpu.memory_space<vmem>>, vector<1x16xf32>,
      %get3A_639 = vector.shape_cast %get3A_638 : vector<1x16xf32> to vector<16xf32>
      %get3A_640 = arith.index_cast %sub3A_599 : i32 to index
      %get3A_641 = arith.constant 160 : index
      %get3A_642 = tpu.vector_load %arg7[%get3A_640, %get3A_641] {strides = array<i32>} : memref<16x256xf32, #tpu.memory_space<vmem>>, vector<1x16xf32>,
      %get3A_643 = vector.shape_cast %get3A_642 : vector<1x16xf32> to vector<16xf32>
      %get3A_644 = arith.index_cast %sub3A_599 : i32 to index
      %get3A_645 = arith.constant 176 : index
      %get3A_646 = tpu.vector_load %arg7[%get3A_644, %get3A_645] {strides = array<i32>} : memref<16x256xf32, #tpu.memory_space<vmem>>, vector<1x16xf32>,
      %get3A_647 = vector.shape_cast %get3A_646 : vector<1x16xf32> to vector<16xf32>
      %get3A_648 = arith.index_cast %sub3A_599 : i32 to index
      %get3A_649 = arith.constant 192 : index
      %get3A_650 = tpu.vector_load %arg7[%get3A_648, %get3A_649] {strides = array<i32>} : memref<16x256xf32, #tpu.memory_space<vmem>>, vector<1x16xf32>,
      %get3A_651 = vector.shape_cast %get3A_650 : vector<1x16xf32> to vector<16xf32>
      %get3A_652 = arith.index_cast %sub3A_599 : i32 to index
      %get3A_653 = arith.constant 208 : index
      %get3A_654 = tpu.vector_load %arg7[%get3A_652, %get3A_653] {strides = array<i32>} : memref<16x256xf32, #tpu.memory_space<vmem>>, vector<1x16xf32>,
      %get3A_655 = vector.shape_cast %get3A_654 : vector<1x16xf32> to vector<16xf32>
      %get3A_656 = arith.index_cast %sub3A_599 : i32 to index
      %get3A_657 = arith.constant 224 : index
      %get3A_658 = tpu.vector_load %arg7[%get3A_656, %get3A_657] {strides = array<i32>} : memref<16x256xf32, #tpu.memory_space<vmem>>, vector<1x16xf32>,
      %get3A_659 = vector.shape_cast %get3A_658 : vector<1x16xf32> to vector<16xf32>
      %get3A_660 = arith.index_cast %sub3A_599 : i32 to index
      %get3A_661 = arith.constant 240 : index
      %get3A_662 = tpu.vector_load %arg7[%get3A_660, %get3A_661] {strides = array<i32>} : memref<16x256xf32, #tpu.memory_space<vmem>>, vector<1x16xf32>,
      %get3A_663 = vector.shape_cast %get3A_662 : vector<1x16xf32> to vector<16xf32>
      %scan3A_664 = arith.constant 0 : i32
      %scan3A_665 = arith.constant 64 : i32
      %scan3A_666 = arith.addi %scan3A_664, %scan3A_665 : i32
      %scan3A_667 = arith.constant 1 : i32
      scf.for %scan3A_858 = %scan3A_664 to %scan3A_666 step %scan3A_667  : i32 {
        %mul3A_859 = arith.constant 1 : i32
        %mul3A_860 = arith.muli %scan3A_858, %mul3A_859 : i32
        %add3A_861 = arith.constant 0 : i32
        %add3A_862 = arith.addi %add3A_861, %mul3A_860 : i32
        %swap3A = arith.index_cast %add3A_862 : i32 to index
        %swap3A_863 = arith.constant 0 : index
        %swap3A_864 = tpu.vector_load %arg10[%swap3A, %swap3A_863] {strides = array<i32>} : memref<64x256xf32, #tpu.memory_space<vmem>>, vector<1x16xf32>,
        %swap3A_865 = vector.shape_cast %swap3A_864 : vector<1x16xf32> to vector<16xf32>
        %swap3A_866 = vector.shape_cast %get3A_603 : vector<16xf32> to vector<1x16xf32>
        tpu.vector_store %arg10[%swap3A, %swap3A_863], %swap3A_866 {add = true, strides = array<i32>} : memref<64x256xf32, #tpu.memory_space<vmem>>, vector<1x16xf32>,
        %swap3A_867 = arith.index_cast %add3A_862 : i32 to index
        %swap3A_868 = arith.constant 16 : index
        %swap3A_869 = tpu.vector_load %arg10[%swap3A_867, %swap3A_868] {strides = array<i32>} : memref<64x256xf32, #tpu.memory_space<vmem>>, vector<1x16xf32>,
        %swap3A_870 = vector.shape_cast %swap3A_869 : vector<1x16xf32> to vector<16xf32>
        %swap3A_871 = vector.shape_cast %get3A_607 : vector<16xf32> to vector<1x16xf32>
        tpu.vector_store %arg10[%swap3A_867, %swap3A_868], %swap3A_871 {add = true, strides = array<i32>} : memref<64x256xf32, #tpu.memory_space<vmem>>, vector<1x16xf32>,
        %swap3A_872 = arith.index_cast %add3A_862 : i32 to index
        %swap3A_873 = arith.constant 32 : index
        %swap3A_874 = tpu.vector_load %arg10[%swap3A_872, %swap3A_873] {strides = array<i32>} : memref<64x256xf32, #tpu.memory_space<vmem>>, vector<1x16xf32>,
        %swap3A_875 = vector.shape_cast %swap3A_874 : vector<1x16xf32> to vector<16xf32>
        %swap3A_876 = vector.shape_cast %get3A_611 : vector<16xf32> to vector<1x16xf32>
        tpu.vector_store %arg10[%swap3A_872, %swap3A_873], %swap3A_876 {add = true, strides = array<i32>} : memref<64x256xf32, #tpu.memory_space<vmem>>, vector<1x16xf32>,
        %swap3A_877 = arith.index_cast %add3A_862 : i32 to index
        %swap3A_878 = arith.constant 48 : index
        %swap3A_879 = tpu.vector_load %arg10[%swap3A_877, %swap3A_878] {strides = array<i32>} : memref<64x256xf32, #tpu.memory_space<vmem>>, vector<1x16xf32>,
        %swap3A_880 = vector.shape_cast %swap3A_879 : vector<1x16xf32> to vector<16xf32>
        %swap3A_881 = vector.shape_cast %get3A_615 : vector<16xf32> to vector<1x16xf32>
        tpu.vector_store %arg10[%swap3A_877, %swap3A_878], %swap3A_881 {add = true, strides = array<i32>} : memref<64x256xf32, #tpu.memory_space<vmem>>, vector<1x16xf32>,
        %swap3A_882 = arith.index_cast %add3A_862 : i32 to index
        %swap3A_883 = arith.constant 64 : index
        %swap3A_884 = tpu.vector_load %arg10[%swap3A_882, %swap3A_883] {strides = array<i32>} : memref<64x256xf32, #tpu.memory_space<vmem>>, vector<1x16xf32>,
        %swap3A_885 = vector.shape_cast %swap3A_884 : vector<1x16xf32> to vector<16xf32>
        %swap3A_886 = vector.shape_cast %get3A_619 : vector<16xf32> to vector<1x16xf32>
        tpu.vector_store %arg10[%swap3A_882, %swap3A_883], %swap3A_886 {add = true, strides = array<i32>} : memref<64x256xf32, #tpu.memory_space<vmem>>, vector<1x16xf32>,
        %swap3A_887 = arith.index_cast %add3A_862 : i32 to index
        %swap3A_888 = arith.constant 80 : index
        %swap3A_889 = tpu.vector_load %arg10[%swap3A_887, %swap3A_888] {strides = array<i32>} : memref<64x256xf32, #tpu.memory_space<vmem>>, vector<1x16xf32>,
        %swap3A_890 = vector.shape_cast %swap3A_889 : vector<1x16xf32> to vector<16xf32>
        %swap3A_891 = vector.shape_cast %get3A_623 : vector<16xf32> to vector<1x16xf32>
        tpu.vector_store %arg10[%swap3A_887, %swap3A_888], %swap3A_891 {add = true, strides = array<i32>} : memref<64x256xf32, #tpu.memory_space<vmem>>, vector<1x16xf32>,
        %swap3A_892 = arith.index_cast %add3A_862 : i32 to index
        %swap3A_893 = arith.constant 96 : index
        %swap3A_894 = tpu.vector_load %arg10[%swap3A_892, %swap3A_893] {strides = array<i32>} : memref<64x256xf32, #tpu.memory_space<vmem>>, vector<1x16xf32>,
        %swap3A_895 = vector.shape_cast %swap3A_894 : vector<1x16xf32> to vector<16xf32>
        %swap3A_896 = vector.shape_cast %get3A_627 : vector<16xf32> to vector<1x16xf32>
        tpu.vector_store %arg10[%swap3A_892, %swap3A_893], %swap3A_896 {add = true, strides = array<i32>} : memref<64x256xf32, #tpu.memory_space<vmem>>, vector<1x16xf32>,
        %swap3A_897 = arith.index_cast %add3A_862 : i32 to index
        %swap3A_898 = arith.constant 112 : index
        %swap3A_899 = tpu.vector_load %arg10[%swap3A_897, %swap3A_898] {strides = array<i32>} : memref<64x256xf32, #tpu.memory_space<vmem>>, vector<1x16xf32>,
        %swap3A_900 = vector.shape_cast %swap3A_899 : vector<1x16xf32> to vector<16xf32>
        %swap3A_901 = vector.shape_cast %get3A_631 : vector<16xf32> to vector<1x16xf32>
        tpu.vector_store %arg10[%swap3A_897, %swap3A_898], %swap3A_901 {add = true, strides = array<i32>} : memref<64x256xf32, #tpu.memory_space<vmem>>, vector<1x16xf32>,
        %swap3A_902 = arith.index_cast %add3A_862 : i32 to index
        %swap3A_903 = arith.constant 128 : index
        %swap3A_904 = tpu.vector_load %arg10[%swap3A_902, %swap3A_903] {strides = array<i32>} : memref<64x256xf32, #tpu.memory_space<vmem>>, vector<1x16xf32>,
        %swap3A_905 = vector.shape_cast %swap3A_904 : vector<1x16xf32> to vector<16xf32>
        %swap3A_906 = vector.shape_cast %get3A_635 : vector<16xf32> to vector<1x16xf32>
        tpu.vector_store %arg10[%swap3A_902, %swap3A_903], %swap3A_906 {add = true, strides = array<i32>} : memref<64x256xf32, #tpu.memory_space<vmem>>, vector<1x16xf32>,
        %swap3A_907 = arith.index_cast %add3A_862 : i32 to index
        %swap3A_908 = arith.constant 144 : index
        %swap3A_909 = tpu.vector_load %arg10[%swap3A_907, %swap3A_908] {strides = array<i32>} : memref<64x256xf32, #tpu.memory_space<vmem>>, vector<1x16xf32>,
        %swap3A_910 = vector.shape_cast %swap3A_909 : vector<1x16xf32> to vector<16xf32>
        %swap3A_911 = vector.shape_cast %get3A_639 : vector<16xf32> to vector<1x16xf32>
        tpu.vector_store %arg10[%swap3A_907, %swap3A_908], %swap3A_911 {add = true, strides = array<i32>} : memref<64x256xf32, #tpu.memory_space<vmem>>, vector<1x16xf32>,
        %swap3A_912 = arith.index_cast %add3A_862 : i32 to index
        %swap3A_913 = arith.constant 160 : index
        %swap3A_914 = tpu.vector_load %arg10[%swap3A_912, %swap3A_913] {strides = array<i32>} : memref<64x256xf32, #tpu.memory_space<vmem>>, vector<1x16xf32>,
        %swap3A_915 = vector.shape_cast %swap3A_914 : vector<1x16xf32> to vector<16xf32>
        %swap3A_916 = vector.shape_cast %get3A_643 : vector<16xf32> to vector<1x16xf32>
        tpu.vector_store %arg10[%swap3A_912, %swap3A_913], %swap3A_916 {add = true, strides = array<i32>} : memref<64x256xf32, #tpu.memory_space<vmem>>, vector<1x16xf32>,
        %swap3A_917 = arith.index_cast %add3A_862 : i32 to index
        %swap3A_918 = arith.constant 176 : index
        %swap3A_919 = tpu.vector_load %arg10[%swap3A_917, %swap3A_918] {strides = array<i32>} : memref<64x256xf32, #tpu.memory_space<vmem>>, vector<1x16xf32>,
        %swap3A_920 = vector.shape_cast %swap3A_919 : vector<1x16xf32> to vector<16xf32>
        %swap3A_921 = vector.shape_cast %get3A_647 : vector<16xf32> to vector<1x16xf32>
        tpu.vector_store %arg10[%swap3A_917, %swap3A_918], %swap3A_921 {add = true, strides = array<i32>} : memref<64x256xf32, #tpu.memory_space<vmem>>, vector<1x16xf32>,
        %swap3A_922 = arith.index_cast %add3A_862 : i32 to index
        %swap3A_923 = arith.constant 192 : index
        %swap3A_924 = tpu.vector_load %arg10[%swap3A_922, %swap3A_923] {strides = array<i32>} : memref<64x256xf32, #tpu.memory_space<vmem>>, vector<1x16xf32>,
        %swap3A_925 = vector.shape_cast %swap3A_924 : vector<1x16xf32> to vector<16xf32>
        %swap3A_926 = vector.shape_cast %get3A_651 : vector<16xf32> to vector<1x16xf32>
        tpu.vector_store %arg10[%swap3A_922, %swap3A_923], %swap3A_926 {add = true, strides = array<i32>} : memref<64x256xf32, #tpu.memory_space<vmem>>, vector<1x16xf32>,
        %swap3A_927 = arith.index_cast %add3A_862 : i32 to index
        %swap3A_928 = arith.constant 208 : index
        %swap3A_929 = tpu.vector_load %arg10[%swap3A_927, %swap3A_928] {strides = array<i32>} : memref<64x256xf32, #tpu.memory_space<vmem>>, vector<1x16xf32>,
        %swap3A_930 = vector.shape_cast %swap3A_929 : vector<1x16xf32> to vector<16xf32>
        %swap3A_931 = vector.shape_cast %get3A_655 : vector<16xf32> to vector<1x16xf32>
        tpu.vector_store %arg10[%swap3A_927, %swap3A_928], %swap3A_931 {add = true, strides = array<i32>} : memref<64x256xf32, #tpu.memory_space<vmem>>, vector<1x16xf32>,
        %swap3A_932 = arith.index_cast %add3A_862 : i32 to index
        %swap3A_933 = arith.constant 224 : index
        %swap3A_934 = tpu.vector_load %arg10[%swap3A_932, %swap3A_933] {strides = array<i32>} : memref<64x256xf32, #tpu.memory_space<vmem>>, vector<1x16xf32>,
        %swap3A_935 = vector.shape_cast %swap3A_934 : vector<1x16xf32> to vector<16xf32>
        %swap3A_936 = vector.shape_cast %get3A_659 : vector<16xf32> to vector<1x16xf32>
        tpu.vector_store %arg10[%swap3A_932, %swap3A_933], %swap3A_936 {add = true, strides = array<i32>} : memref<64x256xf32, #tpu.memory_space<vmem>>, vector<1x16xf32>,
        %swap3A_937 = arith.index_cast %add3A_862 : i32 to index
        %swap3A_938 = arith.constant 240 : index
        %swap3A_939 = tpu.vector_load %arg10[%swap3A_937, %swap3A_938] {strides = array<i32>} : memref<64x256xf32, #tpu.memory_space<vmem>>, vector<1x16xf32>,
        %swap3A_940 = vector.shape_cast %swap3A_939 : vector<1x16xf32> to vector<16xf32>
        %swap3A_941 = vector.shape_cast %get3A_663 : vector<16xf32> to vector<1x16xf32>
        tpu.vector_store %arg10[%swap3A_937, %swap3A_938], %swap3A_941 {add = true, strides = array<i32>} : memref<64x256xf32, #tpu.memory_space<vmem>>, vector<1x16xf32>,
      }
      %scan3A_668 = arith.constant 64 : i32
      %mul3A_669 = arith.constant 100 : i32
      %mul3A_670 = arith.muli %add3A, %mul3A_669 : i32
      %add3A_671 = arith.addi %mul3A_670, %add3A_519 : i32
      %mul3A_672 = arith.constant 64 : i32
      %mul3A_673 = arith.muli %add3A_671, %mul3A_672 : i32
      %multiple_of3A_674 = tpu.assume_multiple %mul3A_673, 64 : i32
      %dma_start3A_675 = arith.constant 0 : i32
      %dma_start3A_676 = tpu.memref_slice %arg5[%multiple_of3A_674, %dma_start3A_675] : memref<206848x256xf32, #tpu.memory_space<hbm>> -> memref<64x256xf32, #tpu.memory_space<hbm>>
      %dma_start3A_677 = arith.constant 0 : i32
      %dma_start3A_678 = tpu.memref_slice %arg5[%multiple_of3A_674, %dma_start3A_677] : memref<206848x256xf32, #tpu.memory_space<hbm>> -> memref<64x256xf32, #tpu.memory_space<hbm>>
      tpu.enqueue_dma source(%arg10 : memref<64x256xf32, #tpu.memory_space<vmem>>) target(%dma_start3A_678 : memref<64x256xf32, #tpu.memory_space<hbm>>) target_semaphore(%arg18 : memref<!tpu.dma_semaphore, #tpu.memory_space<semaphore_mem>>)
      %add3A_679 = arith.constant 4 : i32
      %add3A_680 = arith.addi %add3A_519, %add3A_679 : i32
      %sub3A_681 = arith.constant 2 : i32
      %sub3A_682 = arith.subi %add3A_680, %sub3A_681 : i32
      %lt3A_683 = arith.constant 100 : i32
      %lt3A_684 = arith.cmpi slt, %sub3A_682, %lt3A_683 : i32
      %convert_element_type3A_685 = arith.extui %lt3A_684 : i1 to i32
      %cond3A_686 = arith.constant 0 : i32
      %cond3A_687 = arith.cmpi ne, %convert_element_type3A_685, %cond3A_686 : i32
      scf.if %cond3A_687 {
        %ge3A = arith.constant 2 : i32
        %ge3A_858 = arith.cmpi sge, %add3A_519, %ge3A : i32
        %convert_element_type3A_859 = arith.extui %ge3A_858 : i1 to i32
        %cond3A_860 = arith.constant 0 : i32
        %cond3A_861 = arith.cmpi ne, %convert_element_type3A_859, %cond3A_860 : i32
        scf.if %cond3A_861 {
          %dma_wait3A_917 = arith.constant 0 : i32
          %dma_wait3A_918 = arith.constant 0 : i32
          %dma_wait3A_919 = tpu.memref_slice %arg5[%dma_wait3A_917, %dma_wait3A_918] : memref<206848x256xf32, #tpu.memory_space<hbm>> -> memref<64x256xf32, #tpu.memory_space<hbm>>
          %dma_wait3A_920 = arith.constant 0 : i32
          %dma_wait3A_921 = arith.constant 0 : i32
          %dma_wait3A_922 = tpu.memref_slice %arg5[%dma_wait3A_920, %dma_wait3A_921] : memref<206848x256xf32, #tpu.memory_space<hbm>> -> memref<64x256xf32, #tpu.memory_space<hbm>>
          tpu.wait_dma2 semaphore(%arg16 : memref<!tpu.dma_semaphore, #tpu.memory_space<semaphore_mem>>) src(%arg8 : memref<64x256xf32, #tpu.memory_space<vmem>>) dst(%dma_wait3A_922 : memref<64x256xf32, #tpu.memory_space<hbm>>)
        } else {
        }
        %add3A_862 = arith.constant 4 : i32
        %add3A_863 = arith.addi %add3A_519, %add3A_862 : i32
        %sub3A_864 = arith.constant 2 : i32
        %sub3A_865 = arith.subi %add3A_863, %sub3A_864 : i32
        %mul3A_866 = arith.constant 100 : i32
        %mul3A_867 = arith.muli %add3A, %mul3A_866 : i32
        %add3A_868 = arith.addi %mul3A_867, %sub3A_865 : i32
        %jit3A_869 = arith.constant 16 : i32
        %div3A_870 = arith.divsi %add3A_868, %jit3A_869 : i32
        %sign3A_871 = arith.constant 0 : i32
        %sign3A_872 = arith.cmpi sgt, %add3A_868, %sign3A_871 : i32
        %sign3A_873 = arith.extui %sign3A_872 : i1 to i32
        %sign3A_874 = arith.constant 0 : i32
        %sign3A_875 = arith.cmpi slt, %add3A_868, %sign3A_874 : i32
        %sign3A_876 = arith.extui %sign3A_875 : i1 to i32
        %sign3A_877 = arith.subi %sign3A_873, %sign3A_876 : i32
        %sign3A_878 = arith.constant 0 : i32
        %sign3A_879 = arith.cmpi sgt, %jit3A_869, %sign3A_878 : i32
        %sign3A_880 = arith.extui %sign3A_879 : i1 to i32
        %sign3A_881 = arith.constant 0 : i32
        %sign3A_882 = arith.cmpi slt, %jit3A_869, %sign3A_881 : i32
        %sign3A_883 = arith.extui %sign3A_882 : i1 to i32
        %sign3A_884 = arith.subi %sign3A_880, %sign3A_883 : i32
        %ne3A_885 = arith.cmpi ne, %sign3A_877, %sign3A_884 : i32
        %rem3A_886 = arith.remsi %add3A_868, %jit3A_869 : i32
        %ne3A_887 = arith.constant 0 : i32
        %ne3A_888 = arith.cmpi ne, %rem3A_886, %ne3A_887 : i32
        %and3A_889 = arith.andi %ne3A_885, %ne3A_888 : i1
        %sub3A_890 = arith.constant 1 : i32
        %sub3A_891 = arith.subi %div3A_870, %sub3A_890 : i32
        %select_n3A_892 = arith.select %and3A_889, %sub3A_891, %div3A_870 : i32
        %sub3A_893 = arith.subi %select_n3A_892, %multiple_of3A : i32
        %jit3A_894 = arith.constant 16 : i32
        %eq3A_895 = arith.constant 0 : i32
        %eq3A_896 = arith.cmpi eq, %jit3A_894, %eq3A_895 : i32
        %jit3A_897 = arith.constant 1 : i32
        %select_n3A_898 = arith.select %eq3A_896, %jit3A_897, %jit3A_894 : i32
        %rem3A_899 = arith.remsi %add3A_868, %select_n3A_898 : i32
        %ne3A_900 = arith.constant 0 : i32
        %ne3A_901 = arith.cmpi ne, %rem3A_899, %ne3A_900 : i32
        %lt3A_902 = arith.constant 0 : i32
        %lt3A_903 = arith.cmpi slt, %rem3A_899, %lt3A_902 : i32
        %lt3A_904 = arith.constant 0 : i32
        %lt3A_905 = arith.cmpi slt, %select_n3A_898, %lt3A_904 : i32
        %ne3A_906 = arith.xori %lt3A_903, %lt3A_905 : i1
        %and3A_907 = arith.andi %ne3A_906, %ne3A_901 : i1
        %add3A_908 = arith.addi %rem3A_899, %select_n3A_898 : i32
        %select_n3A_909 = arith.select %and3A_907, %add3A_908, %rem3A_899 : i32
        %mul3A_910 = arith.constant 64 : i32
        %mul3A_911 = arith.muli %select_n3A_909, %mul3A_910 : i32
        %dma_start3A_912 = tpu.memref_slice %arg6[%sub3A_893, %mul3A_911] : memref<16x1024xi32, #tpu.memory_space<vmem>> -> memref<1x64xi32, #tpu.memory_space<vmem>>
        %dma_start3A_913 = tpu.memref_squeeze %dma_start3A_912 : memref<1x64xi32, #tpu.memory_space<vmem>> -> memref<64xi32, #tpu.memory_space<vmem>>
        %dma_start3A_914 = arith.constant 0 : i32
        %dma_start3A_915 = arith.constant 0 : i32
        %dma_start3A_916 = tpu.memref_slice %arg4[%dma_start3A_914, %dma_start3A_915] : memref<100000x256xf32, #tpu.memory_space<hbm>> -> memref<100000x256xf32, #tpu.memory_space<hbm>>
        tpu.enqueue_indirect_dma source(%dma_start3A_916 : memref<100000x256xf32, #tpu.memory_space<hbm>>) target(%arg8 : memref<64x256xf32, #tpu.memory_space<vmem>>) offsets(%dma_start3A_913 : memref<64xi32, #tpu.memory_space<vmem>>) semaphore(%arg12 : memref<!tpu.dma_semaphore, #tpu.memory_space<semaphore_mem>>)
      } else {
      }
      %add3A_688 = arith.constant 3 : i32
      %add3A_689 = arith.addi %mul3A_180, %add3A_688 : i32
      %mul3A_690 = arith.constant 100 : i32
      %mul3A_691 = arith.muli %add3A, %mul3A_690 : i32
      %add3A_692 = arith.constant 0 : i32
      %add3A_693 = arith.addi %mul3A_691, %add3A_692 : i32
      %jit3A_694 = arith.constant 16 : i32
      %div3A_695 = arith.divsi %add3A_693, %jit3A_694 : i32
      %sign3A_696 = arith.constant 0 : i32
      %sign3A_697 = arith.cmpi sgt, %add3A_693, %sign3A_696 : i32
      %sign3A_698 = arith.extui %sign3A_697 : i1 to i32
      %sign3A_699 = arith.constant 0 : i32
      %sign3A_700 = arith.cmpi slt, %add3A_693, %sign3A_699 : i32
      %sign3A_701 = arith.extui %sign3A_700 : i1 to i32
      %sign3A_702 = arith.subi %sign3A_698, %sign3A_701 : i32
      %sign3A_703 = arith.constant 0 : i32
      %sign3A_704 = arith.cmpi sgt, %jit3A_694, %sign3A_703 : i32
      %sign3A_705 = arith.extui %sign3A_704 : i1 to i32
      %sign3A_706 = arith.constant 0 : i32
      %sign3A_707 = arith.cmpi slt, %jit3A_694, %sign3A_706 : i32
      %sign3A_708 = arith.extui %sign3A_707 : i1 to i32
      %sign3A_709 = arith.subi %sign3A_705, %sign3A_708 : i32
      %ne3A_710 = arith.cmpi ne, %sign3A_702, %sign3A_709 : i32
      %rem3A_711 = arith.remsi %add3A_693, %jit3A_694 : i32
      %ne3A_712 = arith.constant 0 : i32
      %ne3A_713 = arith.cmpi ne, %rem3A_711, %ne3A_712 : i32
      %and3A_714 = arith.andi %ne3A_710, %ne3A_713 : i1
      %sub3A_715 = arith.constant 1 : i32
      %sub3A_716 = arith.subi %div3A_695, %sub3A_715 : i32
      %select_n3A_717 = arith.select %and3A_714, %sub3A_716, %div3A_695 : i32
      %sub3A_718 = arith.subi %select_n3A_717, %multiple_of3A : i32
      %jit3A_719 = arith.constant 16 : i32
      %eq3A_720 = arith.constant 0 : i32
      %eq3A_721 = arith.cmpi eq, %jit3A_719, %eq3A_720 : i32
      %jit3A_722 = arith.constant 1 : i32
      %select_n3A_723 = arith.select %eq3A_721, %jit3A_722, %jit3A_719 : i32
      %rem3A_724 = arith.remsi %add3A_693, %select_n3A_723 : i32
      %ne3A_725 = arith.constant 0 : i32
      %ne3A_726 = arith.cmpi ne, %rem3A_724, %ne3A_725 : i32
      %lt3A_727 = arith.constant 0 : i32
      %lt3A_728 = arith.cmpi slt, %rem3A_724, %lt3A_727 : i32
      %lt3A_729 = arith.constant 0 : i32
      %lt3A_730 = arith.cmpi slt, %select_n3A_723, %lt3A_729 : i32
      %ne3A_731 = arith.xori %lt3A_728, %lt3A_730 : i1
      %and3A_732 = arith.andi %ne3A_731, %ne3A_726 : i1
      %add3A_733 = arith.addi %rem3A_724, %select_n3A_723 : i32
      %select_n3A_734 = arith.select %and3A_732, %add3A_733, %rem3A_724 : i32
      %mul3A_735 = arith.constant 64 : i32
      %mul3A_736 = arith.muli %select_n3A_734, %mul3A_735 : i32
      %dma_wait3A_737 = tpu.memref_slice %arg6[%sub3A_718, %mul3A_736] : memref<16x1024xi32, #tpu.memory_space<vmem>> -> memref<1x64xi32, #tpu.memory_space<vmem>>
      %dma_wait3A_738 = tpu.memref_squeeze %dma_wait3A_737 : memref<1x64xi32, #tpu.memory_space<vmem>> -> memref<64xi32, #tpu.memory_space<vmem>>
      %dma_wait3A_739 = arith.constant 0 : i32
      %dma_wait3A_740 = arith.constant 0 : i32
      %dma_wait3A_741 = tpu.memref_slice %arg4[%dma_wait3A_739, %dma_wait3A_740] : memref<100000x256xf32, #tpu.memory_space<hbm>> -> memref<100000x256xf32, #tpu.memory_space<hbm>>
      tpu.wait_indirect_dma semaphore(%arg15 : memref<!tpu.dma_semaphore, #tpu.memory_space<semaphore_mem>>) src(%dma_wait3A_741 : memref<100000x256xf32, #tpu.memory_space<hbm>>) dst(%arg11 : memref<64x256xf32, #tpu.memory_space<vmem>>)
      %mul3A_742 = arith.constant 100 : i32
      %mul3A_743 = arith.muli %add3A, %mul3A_742 : i32
      %add3A_744 = arith.addi %mul3A_743, %add3A_689 : i32
      %jit3A_745 = arith.constant 16 : i32
      %div3A_746 = arith.divsi %add3A_744, %jit3A_745 : i32
      %sign3A_747 = arith.constant 0 : i32
      %sign3A_748 = arith.cmpi sgt, %add3A_744, %sign3A_747 : i32
      %sign3A_749 = arith.extui %sign3A_748 : i1 to i32
      %sign3A_750 = arith.constant 0 : i32
      %sign3A_751 = arith.cmpi slt, %add3A_744, %sign3A_750 : i32
      %sign3A_752 = arith.extui %sign3A_751 : i1 to i32
      %sign3A_753 = arith.subi %sign3A_749, %sign3A_752 : i32
      %sign3A_754 = arith.constant 0 : i32
      %sign3A_755 = arith.cmpi sgt, %jit3A_745, %sign3A_754 : i32
      %sign3A_756 = arith.extui %sign3A_755 : i1 to i32
      %sign3A_757 = arith.constant 0 : i32
      %sign3A_758 = arith.cmpi slt, %jit3A_745, %sign3A_757 : i32
      %sign3A_759 = arith.extui %sign3A_758 : i1 to i32
      %sign3A_760 = arith.subi %sign3A_756, %sign3A_759 : i32
      %ne3A_761 = arith.cmpi ne, %sign3A_753, %sign3A_760 : i32
      %rem3A_762 = arith.remsi %add3A_744, %jit3A_745 : i32
      %ne3A_763 = arith.constant 0 : i32
      %ne3A_764 = arith.cmpi ne, %rem3A_762, %ne3A_763 : i32
      %and3A_765 = arith.andi %ne3A_761, %ne3A_764 : i1
      %sub3A_766 = arith.constant 1 : i32
      %sub3A_767 = arith.subi %div3A_746, %sub3A_766 : i32
      %select_n3A_768 = arith.select %and3A_765, %sub3A_767, %div3A_746 : i32
      %sub3A_769 = arith.subi %select_n3A_768, %multiple_of3A : i32
      %get3A_770 = arith.index_cast %sub3A_769 : i32 to index
      %get3A_771 = arith.constant 0 : index
      %get3A_772 = tpu.vector_load %arg7[%get3A_770, %get3A_771] {strides = array<i32>} : memref<16x256xf32, #tpu.memory_space<vmem>>, vector<1x16xf32>,
      %get3A_773 = vector.shape_cast %get3A_772 : vector<1x16xf32> to vector<16xf32>
      %get3A_774 = arith.index_cast %sub3A_769 : i32 to index
      %get3A_775 = arith.constant 16 : index
      %get3A_776 = tpu.vector_load %arg7[%get3A_774, %get3A_775] {strides = array<i32>} : memref<16x256xf32, #tpu.memory_space<vmem>>, vector<1x16xf32>,
      %get3A_777 = vector.shape_cast %get3A_776 : vector<1x16xf32> to vector<16xf32>
      %get3A_778 = arith.index_cast %sub3A_769 : i32 to index
      %get3A_779 = arith.constant 32 : index
      %get3A_780 = tpu.vector_load %arg7[%get3A_778, %get3A_779] {strides = array<i32>} : memref<16x256xf32, #tpu.memory_space<vmem>>, vector<1x16xf32>,
      %get3A_781 = vector.shape_cast %get3A_780 : vector<1x16xf32> to vector<16xf32>
      %get3A_782 = arith.index_cast %sub3A_769 : i32 to index
      %get3A_783 = arith.constant 48 : index
      %get3A_784 = tpu.vector_load %arg7[%get3A_782, %get3A_783] {strides = array<i32>} : memref<16x256xf32, #tpu.memory_space<vmem>>, vector<1x16xf32>,
      %get3A_785 = vector.shape_cast %get3A_784 : vector<1x16xf32> to vector<16xf32>
      %get3A_786 = arith.index_cast %sub3A_769 : i32 to index
      %get3A_787 = arith.constant 64 : index
      %get3A_788 = tpu.vector_load %arg7[%get3A_786, %get3A_787] {strides = array<i32>} : memref<16x256xf32, #tpu.memory_space<vmem>>, vector<1x16xf32>,
      %get3A_789 = vector.shape_cast %get3A_788 : vector<1x16xf32> to vector<16xf32>
      %get3A_790 = arith.index_cast %sub3A_769 : i32 to index
      %get3A_791 = arith.constant 80 : index
      %get3A_792 = tpu.vector_load %arg7[%get3A_790, %get3A_791] {strides = array<i32>} : memref<16x256xf32, #tpu.memory_space<vmem>>, vector<1x16xf32>,
      %get3A_793 = vector.shape_cast %get3A_792 : vector<1x16xf32> to vector<16xf32>
      %get3A_794 = arith.index_cast %sub3A_769 : i32 to index
      %get3A_795 = arith.constant 96 : index
      %get3A_796 = tpu.vector_load %arg7[%get3A_794, %get3A_795] {strides = array<i32>} : memref<16x256xf32, #tpu.memory_space<vmem>>, vector<1x16xf32>,
      %get3A_797 = vector.shape_cast %get3A_796 : vector<1x16xf32> to vector<16xf32>
      %get3A_798 = arith.index_cast %sub3A_769 : i32 to index
      %get3A_799 = arith.constant 112 : index
      %get3A_800 = tpu.vector_load %arg7[%get3A_798, %get3A_799] {strides = array<i32>} : memref<16x256xf32, #tpu.memory_space<vmem>>, vector<1x16xf32>,
      %get3A_801 = vector.shape_cast %get3A_800 : vector<1x16xf32> to vector<16xf32>
      %get3A_802 = arith.index_cast %sub3A_769 : i32 to index
      %get3A_803 = arith.constant 128 : index
      %get3A_804 = tpu.vector_load %arg7[%get3A_802, %get3A_803] {strides = array<i32>} : memref<16x256xf32, #tpu.memory_space<vmem>>, vector<1x16xf32>,
      %get3A_805 = vector.shape_cast %get3A_804 : vector<1x16xf32> to vector<16xf32>
      %get3A_806 = arith.index_cast %sub3A_769 : i32 to index
      %get3A_807 = arith.constant 144 : index
      %get3A_808 = tpu.vector_load %arg7[%get3A_806, %get3A_807] {strides = array<i32>} : memref<16x256xf32, #tpu.memory_space<vmem>>, vector<1x16xf32>,
      %get3A_809 = vector.shape_cast %get3A_808 : vector<1x16xf32> to vector<16xf32>
      %get3A_810 = arith.index_cast %sub3A_769 : i32 to index
      %get3A_811 = arith.constant 160 : index
      %get3A_812 = tpu.vector_load %arg7[%get3A_810, %get3A_811] {strides = array<i32>} : memref<16x256xf32, #tpu.memory_space<vmem>>, vector<1x16xf32>,
      %get3A_813 = vector.shape_cast %get3A_812 : vector<1x16xf32> to vector<16xf32>
      %get3A_814 = arith.index_cast %sub3A_769 : i32 to index
      %get3A_815 = arith.constant 176 : index
      %get3A_816 = tpu.vector_load %arg7[%get3A_814, %get3A_815] {strides = array<i32>} : memref<16x256xf32, #tpu.memory_space<vmem>>, vector<1x16xf32>,
      %get3A_817 = vector.shape_cast %get3A_816 : vector<1x16xf32> to vector<16xf32>
      %get3A_818 = arith.index_cast %sub3A_769 : i32 to index
      %get3A_819 = arith.constant 192 : index
      %get3A_820 = tpu.vector_load %arg7[%get3A_818, %get3A_819] {strides = array<i32>} : memref<16x256xf32, #tpu.memory_space<vmem>>, vector<1x16xf32>,
      %get3A_821 = vector.shape_cast %get3A_820 : vector<1x16xf32> to vector<16xf32>
      %get3A_822 = arith.index_cast %sub3A_769 : i32 to index
      %get3A_823 = arith.constant 208 : index
      %get3A_824 = tpu.vector_load %arg7[%get3A_822, %get3A_823] {strides = array<i32>} : memref<16x256xf32, #tpu.memory_space<vmem>>, vector<1x16xf32>,
      %get3A_825 = vector.shape_cast %get3A_824 : vector<1x16xf32> to vector<16xf32>
      %get3A_826 = arith.index_cast %sub3A_769 : i32 to index
      %get3A_827 = arith.constant 224 : index
      %get3A_828 = tpu.vector_load %arg7[%get3A_826, %get3A_827] {strides = array<i32>} : memref<16x256xf32, #tpu.memory_space<vmem>>, vector<1x16xf32>,
      %get3A_829 = vector.shape_cast %get3A_828 : vector<1x16xf32> to vector<16xf32>
      %get3A_830 = arith.index_cast %sub3A_769 : i32 to index
      %get3A_831 = arith.constant 240 : index
      %get3A_832 = tpu.vector_load %arg7[%get3A_830, %get3A_831] {strides = array<i32>} : memref<16x256xf32, #tpu.memory_space<vmem>>, vector<1x16xf32>,
      %get3A_833 = vector.shape_cast %get3A_832 : vector<1x16xf32> to vector<16xf32>
      %scan3A_834 = arith.constant 0 : i32
      %scan3A_835 = arith.constant 64 : i32
      %scan3A_836 = arith.addi %scan3A_834, %scan3A_835 : i32
      %scan3A_837 = arith.constant 1 : i32
      scf.for %scan3A_858 = %scan3A_834 to %scan3A_836 step %scan3A_837  : i32 {
        %mul3A_859 = arith.constant 1 : i32
        %mul3A_860 = arith.muli %scan3A_858, %mul3A_859 : i32
        %add3A_861 = arith.constant 0 : i32
        %add3A_862 = arith.addi %add3A_861, %mul3A_860 : i32
        %swap3A = arith.index_cast %add3A_862 : i32 to index
        %swap3A_863 = arith.constant 0 : index
        %swap3A_864 = tpu.vector_load %arg11[%swap3A, %swap3A_863] {strides = array<i32>} : memref<64x256xf32, #tpu.memory_space<vmem>>, vector<1x16xf32>,
        %swap3A_865 = vector.shape_cast %swap3A_864 : vector<1x16xf32> to vector<16xf32>
        %swap3A_866 = vector.shape_cast %get3A_773 : vector<16xf32> to vector<1x16xf32>
        tpu.vector_store %arg11[%swap3A, %swap3A_863], %swap3A_866 {add = true, strides = array<i32>} : memref<64x256xf32, #tpu.memory_space<vmem>>, vector<1x16xf32>,
        %swap3A_867 = arith.index_cast %add3A_862 : i32 to index
        %swap3A_868 = arith.constant 16 : index
        %swap3A_869 = tpu.vector_load %arg11[%swap3A_867, %swap3A_868] {strides = array<i32>} : memref<64x256xf32, #tpu.memory_space<vmem>>, vector<1x16xf32>,
        %swap3A_870 = vector.shape_cast %swap3A_869 : vector<1x16xf32> to vector<16xf32>
        %swap3A_871 = vector.shape_cast %get3A_777 : vector<16xf32> to vector<1x16xf32>
        tpu.vector_store %arg11[%swap3A_867, %swap3A_868], %swap3A_871 {add = true, strides = array<i32>} : memref<64x256xf32, #tpu.memory_space<vmem>>, vector<1x16xf32>,
        %swap3A_872 = arith.index_cast %add3A_862 : i32 to index
        %swap3A_873 = arith.constant 32 : index
        %swap3A_874 = tpu.vector_load %arg11[%swap3A_872, %swap3A_873] {strides = array<i32>} : memref<64x256xf32, #tpu.memory_space<vmem>>, vector<1x16xf32>,
        %swap3A_875 = vector.shape_cast %swap3A_874 : vector<1x16xf32> to vector<16xf32>
        %swap3A_876 = vector.shape_cast %get3A_781 : vector<16xf32> to vector<1x16xf32>
        tpu.vector_store %arg11[%swap3A_872, %swap3A_873], %swap3A_876 {add = true, strides = array<i32>} : memref<64x256xf32, #tpu.memory_space<vmem>>, vector<1x16xf32>,
        %swap3A_877 = arith.index_cast %add3A_862 : i32 to index
        %swap3A_878 = arith.constant 48 : index
        %swap3A_879 = tpu.vector_load %arg11[%swap3A_877, %swap3A_878] {strides = array<i32>} : memref<64x256xf32, #tpu.memory_space<vmem>>, vector<1x16xf32>,
        %swap3A_880 = vector.shape_cast %swap3A_879 : vector<1x16xf32> to vector<16xf32>
        %swap3A_881 = vector.shape_cast %get3A_785 : vector<16xf32> to vector<1x16xf32>
        tpu.vector_store %arg11[%swap3A_877, %swap3A_878], %swap3A_881 {add = true, strides = array<i32>} : memref<64x256xf32, #tpu.memory_space<vmem>>, vector<1x16xf32>,
        %swap3A_882 = arith.index_cast %add3A_862 : i32 to index
        %swap3A_883 = arith.constant 64 : index
        %swap3A_884 = tpu.vector_load %arg11[%swap3A_882, %swap3A_883] {strides = array<i32>} : memref<64x256xf32, #tpu.memory_space<vmem>>, vector<1x16xf32>,
        %swap3A_885 = vector.shape_cast %swap3A_884 : vector<1x16xf32> to vector<16xf32>
        %swap3A_886 = vector.shape_cast %get3A_789 : vector<16xf32> to vector<1x16xf32>
        tpu.vector_store %arg11[%swap3A_882, %swap3A_883], %swap3A_886 {add = true, strides = array<i32>} : memref<64x256xf32, #tpu.memory_space<vmem>>, vector<1x16xf32>,
        %swap3A_887 = arith.index_cast %add3A_862 : i32 to index
        %swap3A_888 = arith.constant 80 : index
        %swap3A_889 = tpu.vector_load %arg11[%swap3A_887, %swap3A_888] {strides = array<i32>} : memref<64x256xf32, #tpu.memory_space<vmem>>, vector<1x16xf32>,
        %swap3A_890 = vector.shape_cast %swap3A_889 : vector<1x16xf32> to vector<16xf32>
        %swap3A_891 = vector.shape_cast %get3A_793 : vector<16xf32> to vector<1x16xf32>
        tpu.vector_store %arg11[%swap3A_887, %swap3A_888], %swap3A_891 {add = true, strides = array<i32>} : memref<64x256xf32, #tpu.memory_space<vmem>>, vector<1x16xf32>,
        %swap3A_892 = arith.index_cast %add3A_862 : i32 to index
        %swap3A_893 = arith.constant 96 : index
        %swap3A_894 = tpu.vector_load %arg11[%swap3A_892, %swap3A_893] {strides = array<i32>} : memref<64x256xf32, #tpu.memory_space<vmem>>, vector<1x16xf32>,
        %swap3A_895 = vector.shape_cast %swap3A_894 : vector<1x16xf32> to vector<16xf32>
        %swap3A_896 = vector.shape_cast %get3A_797 : vector<16xf32> to vector<1x16xf32>
        tpu.vector_store %arg11[%swap3A_892, %swap3A_893], %swap3A_896 {add = true, strides = array<i32>} : memref<64x256xf32, #tpu.memory_space<vmem>>, vector<1x16xf32>,
        %swap3A_897 = arith.index_cast %add3A_862 : i32 to index
        %swap3A_898 = arith.constant 112 : index
        %swap3A_899 = tpu.vector_load %arg11[%swap3A_897, %swap3A_898] {strides = array<i32>} : memref<64x256xf32, #tpu.memory_space<vmem>>, vector<1x16xf32>,
        %swap3A_900 = vector.shape_cast %swap3A_899 : vector<1x16xf32> to vector<16xf32>
        %swap3A_901 = vector.shape_cast %get3A_801 : vector<16xf32> to vector<1x16xf32>
        tpu.vector_store %arg11[%swap3A_897, %swap3A_898], %swap3A_901 {add = true, strides = array<i32>} : memref<64x256xf32, #tpu.memory_space<vmem>>, vector<1x16xf32>,
        %swap3A_902 = arith.index_cast %add3A_862 : i32 to index
        %swap3A_903 = arith.constant 128 : index
        %swap3A_904 = tpu.vector_load %arg11[%swap3A_902, %swap3A_903] {strides = array<i32>} : memref<64x256xf32, #tpu.memory_space<vmem>>, vector<1x16xf32>,
        %swap3A_905 = vector.shape_cast %swap3A_904 : vector<1x16xf32> to vector<16xf32>
        %swap3A_906 = vector.shape_cast %get3A_805 : vector<16xf32> to vector<1x16xf32>
        tpu.vector_store %arg11[%swap3A_902, %swap3A_903], %swap3A_906 {add = true, strides = array<i32>} : memref<64x256xf32, #tpu.memory_space<vmem>>, vector<1x16xf32>,
        %swap3A_907 = arith.index_cast %add3A_862 : i32 to index
        %swap3A_908 = arith.constant 144 : index
        %swap3A_909 = tpu.vector_load %arg11[%swap3A_907, %swap3A_908] {strides = array<i32>} : memref<64x256xf32, #tpu.memory_space<vmem>>, vector<1x16xf32>,
        %swap3A_910 = vector.shape_cast %swap3A_909 : vector<1x16xf32> to vector<16xf32>
        %swap3A_911 = vector.shape_cast %get3A_809 : vector<16xf32> to vector<1x16xf32>
        tpu.vector_store %arg11[%swap3A_907, %swap3A_908], %swap3A_911 {add = true, strides = array<i32>} : memref<64x256xf32, #tpu.memory_space<vmem>>, vector<1x16xf32>,
        %swap3A_912 = arith.index_cast %add3A_862 : i32 to index
        %swap3A_913 = arith.constant 160 : index
        %swap3A_914 = tpu.vector_load %arg11[%swap3A_912, %swap3A_913] {strides = array<i32>} : memref<64x256xf32, #tpu.memory_space<vmem>>, vector<1x16xf32>,
        %swap3A_915 = vector.shape_cast %swap3A_914 : vector<1x16xf32> to vector<16xf32>
        %swap3A_916 = vector.shape_cast %get3A_813 : vector<16xf32> to vector<1x16xf32>
        tpu.vector_store %arg11[%swap3A_912, %swap3A_913], %swap3A_916 {add = true, strides = array<i32>} : memref<64x256xf32, #tpu.memory_space<vmem>>, vector<1x16xf32>,
        %swap3A_917 = arith.index_cast %add3A_862 : i32 to index
        %swap3A_918 = arith.constant 176 : index
        %swap3A_919 = tpu.vector_load %arg11[%swap3A_917, %swap3A_918] {strides = array<i32>} : memref<64x256xf32, #tpu.memory_space<vmem>>, vector<1x16xf32>,
        %swap3A_920 = vector.shape_cast %swap3A_919 : vector<1x16xf32> to vector<16xf32>
        %swap3A_921 = vector.shape_cast %get3A_817 : vector<16xf32> to vector<1x16xf32>
        tpu.vector_store %arg11[%swap3A_917, %swap3A_918], %swap3A_921 {add = true, strides = array<i32>} : memref<64x256xf32, #tpu.memory_space<vmem>>, vector<1x16xf32>,
        %swap3A_922 = arith.index_cast %add3A_862 : i32 to index
        %swap3A_923 = arith.constant 192 : index
        %swap3A_924 = tpu.vector_load %arg11[%swap3A_922, %swap3A_923] {strides = array<i32>} : memref<64x256xf32, #tpu.memory_space<vmem>>, vector<1x16xf32>,
        %swap3A_925 = vector.shape_cast %swap3A_924 : vector<1x16xf32> to vector<16xf32>
        %swap3A_926 = vector.shape_cast %get3A_821 : vector<16xf32> to vector<1x16xf32>
        tpu.vector_store %arg11[%swap3A_922, %swap3A_923], %swap3A_926 {add = true, strides = array<i32>} : memref<64x256xf32, #tpu.memory_space<vmem>>, vector<1x16xf32>,
        %swap3A_927 = arith.index_cast %add3A_862 : i32 to index
        %swap3A_928 = arith.constant 208 : index
        %swap3A_929 = tpu.vector_load %arg11[%swap3A_927, %swap3A_928] {strides = array<i32>} : memref<64x256xf32, #tpu.memory_space<vmem>>, vector<1x16xf32>,
        %swap3A_930 = vector.shape_cast %swap3A_929 : vector<1x16xf32> to vector<16xf32>
        %swap3A_931 = vector.shape_cast %get3A_825 : vector<16xf32> to vector<1x16xf32>
        tpu.vector_store %arg11[%swap3A_927, %swap3A_928], %swap3A_931 {add = true, strides = array<i32>} : memref<64x256xf32, #tpu.memory_space<vmem>>, vector<1x16xf32>,
        %swap3A_932 = arith.index_cast %add3A_862 : i32 to index
        %swap3A_933 = arith.constant 224 : index
        %swap3A_934 = tpu.vector_load %arg11[%swap3A_932, %swap3A_933] {strides = array<i32>} : memref<64x256xf32, #tpu.memory_space<vmem>>, vector<1x16xf32>,
        %swap3A_935 = vector.shape_cast %swap3A_934 : vector<1x16xf32> to vector<16xf32>
        %swap3A_936 = vector.shape_cast %get3A_829 : vector<16xf32> to vector<1x16xf32>
        tpu.vector_store %arg11[%swap3A_932, %swap3A_933], %swap3A_936 {add = true, strides = array<i32>} : memref<64x256xf32, #tpu.memory_space<vmem>>, vector<1x16xf32>,
        %swap3A_937 = arith.index_cast %add3A_862 : i32 to index
        %swap3A_938 = arith.constant 240 : index
        %swap3A_939 = tpu.vector_load %arg11[%swap3A_937, %swap3A_938] {strides = array<i32>} : memref<64x256xf32, #tpu.memory_space<vmem>>, vector<1x16xf32>,
        %swap3A_940 = vector.shape_cast %swap3A_939 : vector<1x16xf32> to vector<16xf32>
        %swap3A_941 = vector.shape_cast %get3A_833 : vector<16xf32> to vector<1x16xf32>
        tpu.vector_store %arg11[%swap3A_937, %swap3A_938], %swap3A_941 {add = true, strides = array<i32>} : memref<64x256xf32, #tpu.memory_space<vmem>>, vector<1x16xf32>,
      }
      %scan3A_838 = arith.constant 64 : i32
      %mul3A_839 = arith.constant 100 : i32
      %mul3A_840 = arith.muli %add3A, %mul3A_839 : i32
      %add3A_841 = arith.addi %mul3A_840, %add3A_689 : i32
      %mul3A_842 = arith.constant 64 : i32
      %mul3A_843 = arith.muli %add3A_841, %mul3A_842 : i32
      %multiple_of3A_844 = tpu.assume_multiple %mul3A_843, 64 : i32
      %dma_start3A_845 = arith.constant 0 : i32
      %dma_start3A_846 = tpu.memref_slice %arg5[%multiple_of3A_844, %dma_start3A_845] : memref<206848x256xf32, #tpu.memory_space<hbm>> -> memref<64x256xf32, #tpu.memory_space<hbm>>
      %dma_start3A_847 = arith.constant 0 : i32
      %dma_start3A_848 = tpu.memref_slice %arg5[%multiple_of3A_844, %dma_start3A_847] : memref<206848x256xf32, #tpu.memory_space<hbm>> -> memref<64x256xf32, #tpu.memory_space<hbm>>
      tpu.enqueue_dma source(%arg11 : memref<64x256xf32, #tpu.memory_space<vmem>>) target(%dma_start3A_848 : memref<64x256xf32, #tpu.memory_space<hbm>>) target_semaphore(%arg19 : memref<!tpu.dma_semaphore, #tpu.memory_space<semaphore_mem>>)
      %add3A_849 = arith.constant 4 : i32
      %add3A_850 = arith.addi %add3A_689, %add3A_849 : i32
      %sub3A_851 = arith.constant 2 : i32
      %sub3A_852 = arith.subi %add3A_850, %sub3A_851 : i32
      %lt3A_853 = arith.constant 100 : i32
      %lt3A_854 = arith.cmpi slt, %sub3A_852, %lt3A_853 : i32
      %convert_element_type3A_855 = arith.extui %lt3A_854 : i1 to i32
      %cond3A_856 = arith.constant 0 : i32
      %cond3A_857 = arith.cmpi ne, %convert_element_type3A_855, %cond3A_856 : i32
      scf.if %cond3A_857 {
        %ge3A = arith.constant 2 : i32
        %ge3A_858 = arith.cmpi sge, %add3A_689, %ge3A : i32
        %convert_element_type3A_859 = arith.extui %ge3A_858 : i1 to i32
        %cond3A_860 = arith.constant 0 : i32
        %cond3A_861 = arith.cmpi ne, %convert_element_type3A_859, %cond3A_860 : i32
        scf.if %cond3A_861 {
          %dma_wait3A_917 = arith.constant 0 : i32
          %dma_wait3A_918 = arith.constant 0 : i32
          %dma_wait3A_919 = tpu.memref_slice %arg5[%dma_wait3A_917, %dma_wait3A_918] : memref<206848x256xf32, #tpu.memory_space<hbm>> -> memref<64x256xf32, #tpu.memory_space<hbm>>
          %dma_wait3A_920 = arith.constant 0 : i32
          %dma_wait3A_921 = arith.constant 0 : i32
          %dma_wait3A_922 = tpu.memref_slice %arg5[%dma_wait3A_920, %dma_wait3A_921] : memref<206848x256xf32, #tpu.memory_space<hbm>> -> memref<64x256xf32, #tpu.memory_space<hbm>>
          tpu.wait_dma2 semaphore(%arg17 : memref<!tpu.dma_semaphore, #tpu.memory_space<semaphore_mem>>) src(%arg9 : memref<64x256xf32, #tpu.memory_space<vmem>>) dst(%dma_wait3A_922 : memref<64x256xf32, #tpu.memory_space<hbm>>)
        } else {
        }
        %add3A_862 = arith.constant 4 : i32
        %add3A_863 = arith.addi %add3A_689, %add3A_862 : i32
        %sub3A_864 = arith.constant 2 : i32
        %sub3A_865 = arith.subi %add3A_863, %sub3A_864 : i32
        %mul3A_866 = arith.constant 100 : i32
        %mul3A_867 = arith.muli %add3A, %mul3A_866 : i32
        %add3A_868 = arith.addi %mul3A_867, %sub3A_865 : i32
        %jit3A_869 = arith.constant 16 : i32
        %div3A_870 = arith.divsi %add3A_868, %jit3A_869 : i32
        %sign3A_871 = arith.constant 0 : i32
        %sign3A_872 = arith.cmpi sgt, %add3A_868, %sign3A_871 : i32
        %sign3A_873 = arith.extui %sign3A_872 : i1 to i32
        %sign3A_874 = arith.constant 0 : i32
        %sign3A_875 = arith.cmpi slt, %add3A_868, %sign3A_874 : i32
        %sign3A_876 = arith.extui %sign3A_875 : i1 to i32
        %sign3A_877 = arith.subi %sign3A_873, %sign3A_876 : i32
        %sign3A_878 = arith.constant 0 : i32
        %sign3A_879 = arith.cmpi sgt, %jit3A_869, %sign3A_878 : i32
        %sign3A_880 = arith.extui %sign3A_879 : i1 to i32
        %sign3A_881 = arith.constant 0 : i32
        %sign3A_882 = arith.cmpi slt, %jit3A_869, %sign3A_881 : i32
        %sign3A_883 = arith.extui %sign3A_882 : i1 to i32
        %sign3A_884 = arith.subi %sign3A_880, %sign3A_883 : i32
        %ne3A_885 = arith.cmpi ne, %sign3A_877, %sign3A_884 : i32
        %rem3A_886 = arith.remsi %add3A_868, %jit3A_869 : i32
        %ne3A_887 = arith.constant 0 : i32
        %ne3A_888 = arith.cmpi ne, %rem3A_886, %ne3A_887 : i32
        %and3A_889 = arith.andi %ne3A_885, %ne3A_888 : i1
        %sub3A_890 = arith.constant 1 : i32
        %sub3A_891 = arith.subi %div3A_870, %sub3A_890 : i32
        %select_n3A_892 = arith.select %and3A_889, %sub3A_891, %div3A_870 : i32
        %sub3A_893 = arith.subi %select_n3A_892, %multiple_of3A : i32
        %jit3A_894 = arith.constant 16 : i32
        %eq3A_895 = arith.constant 0 : i32
        %eq3A_896 = arith.cmpi eq, %jit3A_894, %eq3A_895 : i32
        %jit3A_897 = arith.constant 1 : i32
        %select_n3A_898 = arith.select %eq3A_896, %jit3A_897, %jit3A_894 : i32
        %rem3A_899 = arith.remsi %add3A_868, %select_n3A_898 : i32
        %ne3A_900 = arith.constant 0 : i32
        %ne3A_901 = arith.cmpi ne, %rem3A_899, %ne3A_900 : i32
        %lt3A_902 = arith.constant 0 : i32
        %lt3A_903 = arith.cmpi slt, %rem3A_899, %lt3A_902 : i32
        %lt3A_904 = arith.constant 0 : i32
        %lt3A_905 = arith.cmpi slt, %select_n3A_898, %lt3A_904 : i32
        %ne3A_906 = arith.xori %lt3A_903, %lt3A_905 : i1
        %and3A_907 = arith.andi %ne3A_906, %ne3A_901 : i1
        %add3A_908 = arith.addi %rem3A_899, %select_n3A_898 : i32
        %select_n3A_909 = arith.select %and3A_907, %add3A_908, %rem3A_899 : i32
        %mul3A_910 = arith.constant 64 : i32
        %mul3A_911 = arith.muli %select_n3A_909, %mul3A_910 : i32
        %dma_start3A_912 = tpu.memref_slice %arg6[%sub3A_893, %mul3A_911] : memref<16x1024xi32, #tpu.memory_space<vmem>> -> memref<1x64xi32, #tpu.memory_space<vmem>>
        %dma_start3A_913 = tpu.memref_squeeze %dma_start3A_912 : memref<1x64xi32, #tpu.memory_space<vmem>> -> memref<64xi32, #tpu.memory_space<vmem>>
        %dma_start3A_914 = arith.constant 0 : i32
        %dma_start3A_915 = arith.constant 0 : i32
        %dma_start3A_916 = tpu.memref_slice %arg4[%dma_start3A_914, %dma_start3A_915] : memref<100000x256xf32, #tpu.memory_space<hbm>> -> memref<100000x256xf32, #tpu.memory_space<hbm>>
        tpu.enqueue_indirect_dma source(%dma_start3A_916 : memref<100000x256xf32, #tpu.memory_space<hbm>>) target(%arg9 : memref<64x256xf32, #tpu.memory_space<vmem>>) offsets(%dma_start3A_913 : memref<64xi32, #tpu.memory_space<vmem>>) semaphore(%arg13 : memref<!tpu.dma_semaphore, #tpu.memory_space<semaphore_mem>>)
      } else {
      }
    }
    %scan3A_150 = arith.constant 25 : i32
    %dma_wait3A = arith.constant 0 : i32
    %dma_wait3A_151 = arith.constant 0 : i32
    %dma_wait3A_152 = tpu.memref_slice %arg5[%dma_wait3A, %dma_wait3A_151] : memref<206848x256xf32, #tpu.memory_space<hbm>> -> memref<64x256xf32, #tpu.memory_space<hbm>>
    %dma_wait3A_153 = arith.constant 0 : i32
    %dma_wait3A_154 = arith.constant 0 : i32
    %dma_wait3A_155 = tpu.memref_slice %arg5[%dma_wait3A_153, %dma_wait3A_154] : memref<206848x256xf32, #tpu.memory_space<hbm>> -> memref<64x256xf32, #tpu.memory_space<hbm>>
    tpu.wait_dma2 semaphore(%arg16 : memref<!tpu.dma_semaphore, #tpu.memory_space<semaphore_mem>>) src(%arg8 : memref<64x256xf32, #tpu.memory_space<vmem>>) dst(%dma_wait3A_155 : memref<64x256xf32, #tpu.memory_space<hbm>>)
    %dma_wait3A_156 = arith.constant 0 : i32
    %dma_wait3A_157 = arith.constant 0 : i32
    %dma_wait3A_158 = tpu.memref_slice %arg5[%dma_wait3A_156, %dma_wait3A_157] : memref<206848x256xf32, #tpu.memory_space<hbm>> -> memref<64x256xf32, #tpu.memory_space<hbm>>
    %dma_wait3A_159 = arith.constant 0 : i32
    %dma_wait3A_160 = arith.constant 0 : i32
    %dma_wait3A_161 = tpu.memref_slice %arg5[%dma_wait3A_159, %dma_wait3A_160] : memref<206848x256xf32, #tpu.memory_space<hbm>> -> memref<64x256xf32, #tpu.memory_space<hbm>>
    tpu.wait_dma2 semaphore(%arg17 : memref<!tpu.dma_semaphore, #tpu.memory_space<semaphore_mem>>) src(%arg9 : memref<64x256xf32, #tpu.memory_space<vmem>>) dst(%dma_wait3A_161 : memref<64x256xf32, #tpu.memory_space<hbm>>)
    %dma_wait3A_162 = arith.constant 0 : i32
    %dma_wait3A_163 = arith.constant 0 : i32
    %dma_wait3A_164 = tpu.memref_slice %arg5[%dma_wait3A_162, %dma_wait3A_163] : memref<206848x256xf32, #tpu.memory_space<hbm>> -> memref<64x256xf32, #tpu.memory_space<hbm>>
    %dma_wait3A_165 = arith.constant 0 : i32
    %dma_wait3A_166 = arith.constant 0 : i32
    %dma_wait3A_167 = tpu.memref_slice %arg5[%dma_wait3A_165, %dma_wait3A_166] : memref<206848x256xf32, #tpu.memory_space<hbm>> -> memref<64x256xf32, #tpu.memory_space<hbm>>
    tpu.wait_dma2 semaphore(%arg18 : memref<!tpu.dma_semaphore, #tpu.memory_space<semaphore_mem>>) src(%arg10 : memref<64x256xf32, #tpu.memory_space<vmem>>) dst(%dma_wait3A_167 : memref<64x256xf32, #tpu.memory_space<hbm>>)
    %dma_wait3A_168 = arith.constant 0 : i32
    %dma_wait3A_169 = arith.constant 0 : i32
    %dma_wait3A_170 = tpu.memref_slice %arg5[%dma_wait3A_168, %dma_wait3A_169] : memref<206848x256xf32, #tpu.memory_space<hbm>> -> memref<64x256xf32, #tpu.memory_space<hbm>>
    %dma_wait3A_171 = arith.constant 0 : i32
    %dma_wait3A_172 = arith.constant 0 : i32
    %dma_wait3A_173 = tpu.memref_slice %arg5[%dma_wait3A_171, %dma_wait3A_172] : memref<206848x256xf32, #tpu.memory_space<hbm>> -> memref<64x256xf32, #tpu.memory_space<hbm>>
    tpu.wait_dma2 semaphore(%arg19 : memref<!tpu.dma_semaphore, #tpu.memory_space<semaphore_mem>>) src(%arg11 : memref<64x256xf32, #tpu.memory_space<vmem>>) dst(%dma_wait3A_173 : memref<64x256xf32, #tpu.memory_space<hbm>>)
    return
  }
}

module attributes {stable_mosaic.version = 14 : i64} {
  func.func @_mlp_body(%arg0: i32, %arg1: memref<206848x256xf32, #tpu.memory_space<any>>, %arg2: memref<1024x1xf32, #tpu.memory_space<vmem>>, %arg3: memref<1024x10xf32, #tpu.memory_space<vmem>>, %arg4: memref<1x64xf32, #tpu.memory_space<vmem>>, %arg5: memref<1x64xf32, #tpu.memory_space<vmem>>, %arg6: memref<64x256xf32, #tpu.memory_space<vmem>>, %arg7: memref<1x256xf32, #tpu.memory_space<vmem>>, %arg8: memref<10x128xf32, #tpu.memory_space<vmem>>, %arg9: memref<1x128xf32, #tpu.memory_space<vmem>>, %arg10: memref<128x256xf32, #tpu.memory_space<vmem>>, %arg11: memref<1x256xf32, #tpu.memory_space<vmem>>, %arg12: memref<2048x256xf32, #tpu.memory_space<vmem>>) attributes {dimension_semantics = [#tpu.dimension_semantics<arbitrary>], iteration_bounds = array<i64: 1>, scalar_prefetch = 0 : i64, scratch_operands = 0 : i64, tpu.core_type = #tpu.core_type<tc>, window_params = [{}, {pipeline_mode = #tpu.pipeline_mode<synchronous>, transform_indices = @transform_1, window_bounds = array<i64: 1024, 1>}, {pipeline_mode = #tpu.pipeline_mode<synchronous>, transform_indices = @transform_2, window_bounds = array<i64: 1024, 10>}, {pipeline_mode = #tpu.pipeline_mode<synchronous>, transform_indices = @transform_3, window_bounds = array<i64: 1, 64>}, {pipeline_mode = #tpu.pipeline_mode<synchronous>, transform_indices = @transform_4, window_bounds = array<i64: 1, 64>}, {pipeline_mode = #tpu.pipeline_mode<synchronous>, transform_indices = @transform_5, window_bounds = array<i64: 64, 256>}, {pipeline_mode = #tpu.pipeline_mode<synchronous>, transform_indices = @transform_6, window_bounds = array<i64: 1, 256>}, {pipeline_mode = #tpu.pipeline_mode<synchronous>, transform_indices = @transform_7, window_bounds = array<i64: 10, 128>}, {pipeline_mode = #tpu.pipeline_mode<synchronous>, transform_indices = @transform_8, window_bounds = array<i64: 1, 128>}, {pipeline_mode = #tpu.pipeline_mode<synchronous>, transform_indices = @transform_9, window_bounds = array<i64: 128, 256>}, {pipeline_mode = #tpu.pipeline_mode<synchronous>, transform_indices = @transform_10, window_bounds = array<i64: 1, 256>}, {transform_indices = @transform_11, window_bounds = array<i64: 2048, 256>}]} {
    %get3A = arith.constant 0 : index
    %get3A_0 = arith.constant 0 : index
    %get3A_1 = vector.load %arg2[%get3A, %get3A_0] : memref<1024x1xf32, #tpu.memory_space<vmem>>, vector<1024x1xf32>
    %get3A_2 = arith.constant 0 : index
    %get3A_3 = arith.constant 0 : index
    %get3A_4 = vector.load %arg4[%get3A_2, %get3A_3] : memref<1x64xf32, #tpu.memory_space<vmem>>, vector<1x64xf32>
    %dot_general3A = arith.constant dense<0.000000e+00> : vector<1024x64xf32>
    %dot_general3A_5 = tpu.matmul %get3A_1, %get3A_4, %dot_general3A {dimension_numbers = #tpu.dot_dimension_numbers<[1], [0], [0], [1], [0, 0, 1, 1], [], []>, transpose_lhs_hint = false} : vector<1024x1xf32>, vector<1x64xf32>, vector<1024x64xf32> -> vector<1024x64xf32>
    %get3A_6 = arith.constant 0 : index
    %get3A_7 = arith.constant 0 : index
    %get3A_8 = vector.load %arg5[%get3A_6, %get3A_7] : memref<1x64xf32, #tpu.memory_space<vmem>>, vector<1x64xf32>
    %add3A = vector.broadcast %get3A_8 : vector<1x64xf32> to vector<1024x64xf32>
    %add3A_9 = arith.addf %dot_general3A_5, %add3A : vector<1024x64xf32>
    %max3A = arith.constant 0.000000e+00 : f32
    %max3A_10 = vector.broadcast %max3A : f32 to vector<1024x64xf32>
    %max3A_11 = arith.maximumf %add3A_9, %max3A_10 : vector<1024x64xf32>
    %get3A_12 = arith.constant 0 : index
    %get3A_13 = arith.constant 0 : index
    %get3A_14 = vector.load %arg6[%get3A_12, %get3A_13] : memref<64x256xf32, #tpu.memory_space<vmem>>, vector<64x256xf32>
    %dot_general3A_15 = arith.constant dense<0.000000e+00> : vector<1024x256xf32>
    %dot_general3A_16 = tpu.matmul %max3A_11, %get3A_14, %dot_general3A_15 {dimension_numbers = #tpu.dot_dimension_numbers<[1], [0], [0], [1], [0, 0, 1, 1], [], []>, transpose_lhs_hint = false} : vector<1024x64xf32>, vector<64x256xf32>, vector<1024x256xf32> -> vector<1024x256xf32>
    %get3A_17 = arith.constant 0 : index
    %get3A_18 = arith.constant 0 : index
    %get3A_19 = vector.load %arg7[%get3A_17, %get3A_18] : memref<1x256xf32, #tpu.memory_space<vmem>>, vector<1x256xf32>
    %add3A_20 = vector.broadcast %get3A_19 : vector<1x256xf32> to vector<1024x256xf32>
    %add3A_21 = arith.addf %dot_general3A_16, %add3A_20 : vector<1024x256xf32>
    %get3A_22 = arith.constant 0 : index
    %get3A_23 = arith.constant 0 : index
    %get3A_24 = vector.load %arg3[%get3A_22, %get3A_23] : memref<1024x10xf32, #tpu.memory_space<vmem>>, vector<1024x10xf32>
    %get3A_25 = arith.constant 0 : index
    %get3A_26 = arith.constant 0 : index
    %get3A_27 = vector.load %arg8[%get3A_25, %get3A_26] : memref<10x128xf32, #tpu.memory_space<vmem>>, vector<10x128xf32>
    %dot_general3A_28 = arith.constant dense<0.000000e+00> : vector<1024x128xf32>
    %dot_general3A_29 = tpu.matmul %get3A_24, %get3A_27, %dot_general3A_28 {dimension_numbers = #tpu.dot_dimension_numbers<[1], [0], [0], [1], [0, 0, 1, 1], [], []>, transpose_lhs_hint = false} : vector<1024x10xf32>, vector<10x128xf32>, vector<1024x128xf32> -> vector<1024x128xf32>
    %get3A_30 = arith.constant 0 : index
    %get3A_31 = arith.constant 0 : index
    %get3A_32 = vector.load %arg9[%get3A_30, %get3A_31] : memref<1x128xf32, #tpu.memory_space<vmem>>, vector<1x128xf32>
    %add3A_33 = vector.broadcast %get3A_32 : vector<1x128xf32> to vector<1024x128xf32>
    %add3A_34 = arith.addf %dot_general3A_29, %add3A_33 : vector<1024x128xf32>
    %max3A_35 = arith.constant 0.000000e+00 : f32
    %max3A_36 = vector.broadcast %max3A_35 : f32 to vector<1024x128xf32>
    %max3A_37 = arith.maximumf %add3A_34, %max3A_36 : vector<1024x128xf32>
    %get3A_38 = arith.constant 0 : index
    %get3A_39 = arith.constant 0 : index
    %get3A_40 = vector.load %arg10[%get3A_38, %get3A_39] : memref<128x256xf32, #tpu.memory_space<vmem>>, vector<128x256xf32>
    %dot_general3A_41 = arith.constant dense<0.000000e+00> : vector<1024x256xf32>
    %dot_general3A_42 = tpu.matmul %max3A_37, %get3A_40, %dot_general3A_41 {dimension_numbers = #tpu.dot_dimension_numbers<[1], [0], [0], [1], [0, 0, 1, 1], [], []>, transpose_lhs_hint = false} : vector<1024x128xf32>, vector<128x256xf32>, vector<1024x256xf32> -> vector<1024x256xf32>
    %get3A_43 = arith.constant 0 : index
    %get3A_44 = arith.constant 0 : index
    %get3A_45 = vector.load %arg11[%get3A_43, %get3A_44] : memref<1x256xf32, #tpu.memory_space<vmem>>, vector<1x256xf32>
    %add3A_46 = vector.broadcast %get3A_45 : vector<1x256xf32> to vector<1024x256xf32>
    %add3A_47 = arith.addf %dot_general3A_42, %add3A_46 : vector<1024x256xf32>
    %swap3A = arith.constant 0 : index
    %swap3A_48 = arith.constant 0 : index
    %swap3A_49 = vector.load %arg12[%swap3A, %swap3A_48] : memref<2048x256xf32, #tpu.memory_space<vmem>>, vector<1024x256xf32>
    tpu.vector_store %arg12[%swap3A, %swap3A_48], %add3A_21 {strides = array<i32>} : memref<2048x256xf32, #tpu.memory_space<vmem>>, vector<1024x256xf32>,
    %swap3A_50 = arith.constant 1024 : index
    %swap3A_51 = arith.constant 0 : index
    %swap3A_52 = vector.load %arg12[%swap3A_50, %swap3A_51] : memref<2048x256xf32, #tpu.memory_space<vmem>>, vector<1024x256xf32>
    tpu.vector_store %arg12[%swap3A_50, %swap3A_51], %add3A_47 {strides = array<i32>} : memref<2048x256xf32, #tpu.memory_space<vmem>>, vector<1024x256xf32>,
    return
  }
  func.func @transform_1(%arg0: i32) -> (i32, i32) {
    %c0_i32 = arith.constant 0 : i32
    %c0_i32_0 = arith.constant 0 : i32
    %c0_i32_1 = arith.constant 0 : i32
    return %c0_i32, %c0_i32_0 : i32, i32
  }
  func.func @transform_2(%arg0: i32) -> (i32, i32) {
    %c0_i32 = arith.constant 0 : i32
    %c0_i32_0 = arith.constant 0 : i32
    %c0_i32_1 = arith.constant 0 : i32
    return %c0_i32, %c0_i32_0 : i32, i32
  }
  func.func @transform_3(%arg0: i32) -> (i32, i32) {
    %c0_i32 = arith.constant 0 : i32
    %c0_i32_0 = arith.constant 0 : i32
    %c0_i32_1 = arith.constant 0 : i32
    return %c0_i32, %c0_i32_0 : i32, i32
  }
  func.func @transform_4(%arg0: i32) -> (i32, i32) {
    %c0_i32 = arith.constant 0 : i32
    %c0_i32_0 = arith.constant 0 : i32
    %c0_i32_1 = arith.constant 0 : i32
    return %c0_i32, %c0_i32_0 : i32, i32
  }
  func.func @transform_5(%arg0: i32) -> (i32, i32) {
    %c0_i32 = arith.constant 0 : i32
    %c0_i32_0 = arith.constant 0 : i32
    %c0_i32_1 = arith.constant 0 : i32
    return %c0_i32, %c0_i32_0 : i32, i32
  }
  func.func @transform_6(%arg0: i32) -> (i32, i32) {
    %c0_i32 = arith.constant 0 : i32
    %c0_i32_0 = arith.constant 0 : i32
    %c0_i32_1 = arith.constant 0 : i32
    return %c0_i32, %c0_i32_0 : i32, i32
  }
  func.func @transform_7(%arg0: i32) -> (i32, i32) {
    %c0_i32 = arith.constant 0 : i32
    %c0_i32_0 = arith.constant 0 : i32
    %c0_i32_1 = arith.constant 0 : i32
    return %c0_i32, %c0_i32_0 : i32, i32
  }
  func.func @transform_8(%arg0: i32) -> (i32, i32) {
    %c0_i32 = arith.constant 0 : i32
    %c0_i32_0 = arith.constant 0 : i32
    %c0_i32_1 = arith.constant 0 : i32
    return %c0_i32, %c0_i32_0 : i32, i32
  }
  func.func @transform_9(%arg0: i32) -> (i32, i32) {
    %c0_i32 = arith.constant 0 : i32
    %c0_i32_0 = arith.constant 0 : i32
    %c0_i32_1 = arith.constant 0 : i32
    return %c0_i32, %c0_i32_0 : i32, i32
  }
  func.func @transform_10(%arg0: i32) -> (i32, i32) {
    %c0_i32 = arith.constant 0 : i32
    %c0_i32_0 = arith.constant 0 : i32
    %c0_i32_1 = arith.constant 0 : i32
    return %c0_i32, %c0_i32_0 : i32, i32
  }
  func.func @transform_11(%arg0: i32) -> (i32, i32) {
    %c100_i32 = arith.constant 100 : i32
    %c0_i32 = arith.constant 0 : i32
    %c0_i32_0 = arith.constant 0 : i32
    return %c100_i32, %c0_i32 : i32, i32
  }
}

</mosaic_0001>

<sc_bundles>
// kernel: kernel.4.cloned.1.call-start
scs
__scs_entry_jumppad:
0x0: {  	(pc) =	sbr.rel $0x88, $3  }
0x1: {  	(tag) =	ssettag $0x0;
	lr =	simm.s32 $0x1  }
0x2: {  	[smem:$0x3F95] =	sst lr;
	_ =	strace $0xD0000000  }
0x3: {  	_ = 	snop  }
0x4: {  	_ = 	snop  }
0x5: {  	_ = 	snop  }
0x6: {  	_ = 	snop  }
0x7: {  	_ = 	snop  }
__scs_overlays_trampoline_lowered:
0x8: {  	[smem:$0x3FA4] =	sst s0  }
0x9: {  	[smem:$0x3FA5] =	sst s1  }
0xa: {  	[smem:$0x3FA6] =	sst s2  }
0xb: {  	[smem:$0x3FA7] =	sst s3  }
0xc: {  	[smem:$0x3FA8] =	sst s4  }
0xd: {  	[smem:$0x3FA9] =	sst s5  }
0xe: {  	[smem:$0x3FAA] =	sst s6  }
0xf: {  	[smem:$0x3FAB] =	sst s7  }
0x10: {  	[smem:$0x3FAC] =	sst s8  }
0x11: {  	[smem:$0x3FAD] =	sst s9;
	s0 =	simm.s32 @!p0 $0x0  }
0x12: {  	s1 =	sld [smem:$0x3F93];
	s0 =	simm.s32 @p0 $0x1  }
0x13: {  	[smem:$0x3FAE] =	sst s0;
	s0 =	simm.s32 @!p1 $0x0  }
0x14: {  	s2 =	sld [smem:$0x3F92];
	s0 =	simm.s32 @p1 $0x1  }
0x15: {  	[smem:$0x3FAF] =	sst s0;
	s0 =	simm.s32 @!p2 $0x0  }
0x16: {  	s3 =	sld [smem:$0x3FDB];
	s0 =	simm.s32 @p2 $0x1  }
0x17: {  	s4 =	simm.s32 $0x1BF5;
	[smem:$0x3FB1] =	sst s0  }
0x18: {  	s0 =	sld [smem:$0x3F94];
	_ =	swait.ge [sflag:s4], $0x0  }
0x19: {  	s7 =	sld [smem:$0x3F95]  }
0x1a: {  	s8 =	sadd.s32 $0xFFFFE003, lr  }
0x1b: {  	s9 =	sadd.s32 $0xFFFFFEF7, lr;
	s5 =	simm.s32 $0xFFFFFFFF;
	p2 =	slt.u32 s8, $0xFFFFF086  }
0x1c: {  	p1 =	slt.u32 s9, $0xF7A;
	s5 =	simm.s32 @!p2 $0x0  }
0x1d: {  	s5 =	simm.s32 @p1 $0x1;
	p0 =	seq.s32 s7, s2  }
0x1e: {  	s7 =	smul.u32 @!p0 $0xF7A, s2;
	p2 =	seq.s32 @!p0 s5, $0x0  }
0x1f: {  	s9 =	smul.u32 $0xF7A, s1;
	s8 =	simm.s32 @!p0 $0x1BF5;
	p2 =	por !p2, p0  }
0x20: {  	[sflag:s8] =	ssyncset.s32 @!p0 $0xFFFFF086;
	s6 =	sadd.s32 @!p0 s3, s7;
	s7 =	simm.s32 @!p0 $0x108  }
0x21: {  	s3 =	sadd.s32 s3, s9;
	s6 =	sadd.s32 @!p0 $0x88, s6;
	s7 =	simm.s32 @p2 $0x1082  }
0x22: {  	[simem:s7], [sflag:s8] =	dma.local @!p0 [hbm:s6], $0xF7A  }
0x23: {  	s9 =	sor.u32 $0xD0000000, s2;
	s6 =	simm.s32 $0x108;
	_ =	swait.ge @!p0 [sflag:s8], $0x0  }
0x24: {  	s3 =	sadd.s32 $0x88, s3;
	s6 =	simm.s32 @!p1 $0x1082;
	[sflag:s4] =	ssyncset.s32 $0xFFFFF086  }
0x25: {  	[simem:s6], [sflag:s4] =	dma.local [hbm:s3], $0xF7A  }
0x26: {  	[smem:$0x3F95] =	sst s1;
	(tag) =	ssettag s2;
	_ =	strace s9  }
0x27: {  	s1 =	sld [smem:$0x3FA5]  }
0x28: {  	s2 =	sld [smem:$0x3FA6]  }
0x29: {  	s4 =	sld [smem:$0x3FA8]  }
0x2a: {  	p0 =	seq.s32 s5, $0x0;
	s5 =	sld [smem:$0x3FA9]  }
0x2b: {  	s6 =	sld [smem:$0x3FAA]  }
0x2c: {  	s7 =	sld [smem:$0x3FAB]  }
0x2d: {  	s3 =	simm.s32 $0x108;
	s8 =	sld [smem:$0x3FAC]  }
0x2e: {  	s3 =	simm.s32 @!p0 $0x1082;
	s9 =	sld [smem:$0x3FAD]  }
0x2f: {  	lr =	sadd.s32 s0, s3;
	s0 =	sld [smem:$0x3FA4]  }
0x30: {  	s3 =	sld [smem:$0x3FA7]  }
0x31: {  	[smem:$0x3FB0] =	sst s10  }
0x32: {  	s10 =	sld [smem:$0x3FAE];
	_ =	sdelay $0x3  }
0x33: {  	p0 =	seq.s32 s10, $0x1;
	s10 =	sld [smem:$0x3FB0];
	_ =	sdelay $0x3  }
0x34: {  	[smem:$0x3FB0] =	sst s10  }
0x35: {  	s10 =	sld [smem:$0x3FAF];
	_ =	sdelay $0x3  }
0x36: {  	p1 =	seq.s32 s10, $0x1;
	s10 =	sld [smem:$0x3FB0];
	_ =	sdelay $0x3  }
0x37: {  	[smem:$0x3FB0] =	sst s10  }
0x38: {  	s10 =	sld [smem:$0x3FB1]  }
0x39: {  	_ = 	snop;
	(pc) =	sbr.ind lr, $3  }
0x3a: {  	_ = 	snop  }
0x3b: {  	_ = 	snop  }
0x3c: {  	p2 =	seq.s32 s10, $0x1;
	s10 =	sld [smem:$0x3FB0]  }
0x3d: {  	_ =	shalt  }
0x3e: {  	_ =	shalt  }
0x3f: {  	_ =	shalt  }
0x40: {  	_ =	shalt  }
0x41: {  	_ =	shalt  }
0x42: {  	_ =	shalt  }
0x43: {  	_ =	shalt  }
0x44: {  	_ =	shalt  }
0x45: {  	_ =	shalt  }
0x46: {  	_ =	shalt  }
0x47: {  	_ =	shalt  }
0x48: {  	_ =	shalt  }
0x49: {  	_ =	shalt  }
0x4a: {  	_ =	shalt  }
0x4b: {  	_ =	shalt  }
0x4c: {  	_ =	shalt  }
0x4d: {  	_ =	shalt  }
0x4e: {  	_ =	shalt  }
0x4f: {  	_ =	shalt  }
0x50: {  	_ =	shalt  }
0x51: {  	_ =	shalt  }
0x52: {  	_ =	shalt  }
0x53: {  	_ =	shalt  }
0x54: {  	_ =	shalt  }
0x55: {  	_ =	shalt  }
0x56: {  	_ =	shalt  }
0x57: {  	_ =	shalt  }
0x58: {  	_ =	shalt  }
0x59: {  	_ =	shalt  }
0x5a: {  	_ =	shalt  }
0x5b: {  	_ =	shalt  }
0x5c: {  	_ =	shalt  }
0x5d: {  	_ =	shalt  }
0x5e: {  	_ =	shalt  }
0x5f: {  	_ =	shalt  }
0x60: {  	_ =	shalt  }
0x61: {  	_ =	shalt  }
0x62: {  	_ =	shalt  }
0x63: {  	_ =	shalt  }
0x64: {  	_ =	shalt  }
0x65: {  	_ =	shalt  }
0x66: {  	_ =	shalt  }
0x67: {  	_ =	shalt  }
0x68: {  	_ =	shalt  }
0x69: {  	_ =	shalt  }
0x6a: {  	_ =	shalt  }
0x6b: {  	_ =	shalt  }
0x6c: {  	_ =	shalt  }
0x6d: {  	_ =	shalt  }
0x6e: {  	_ =	shalt  }
0x6f: {  	_ =	shalt  }
0x70: {  	_ =	shalt  }
0x71: {  	_ =	shalt  }
0x72: {  	_ =	shalt  }
0x73: {  	_ =	shalt  }
0x74: {  	_ =	shalt  }
0x75: {  	_ =	shalt  }
0x76: {  	_ =	shalt  }
0x77: {  	_ =	shalt  }
0x78: {  	_ =	shalt  }
0x79: {  	_ =	shalt  }
0x7a: {  	_ =	shalt  }
0x7b: {  	_ =	shalt  }
0x7c: {  	_ =	shalt  }
0x7d: {  	_ =	shalt  }
0x7e: {  	_ =	shalt  }
0x7f: {  	_ =	shalt  }
0x80: {  	_ =	shalt  }
0x81: {  	_ =	shalt  }
0x82: {  	_ =	shalt  }
0x83: {  	_ =	shalt  }
0x84: {  	_ =	shalt  }
0x85: {  	_ =	shalt  }
0x86: {  	_ =	shalt  }
0x87: {  	_ =	shalt  }
.Lfunc_end0:
.L_simem_size_0:
called_computation_lowered:
.L_overlay_start_0:
0x88: {  	s2 =	sld [smem:$0x3FD9]  }
0x89: {  	s3 =	sld [smem:$0x3FFE];
	_ =	sdelay $0x1  }
0x8a: {  	s1 =	srdreg.scid  }
0x8b: {  	s0 =	sand.u32 $0x1, s1  }
0x8c: {  	s17 =	sshll.u32 s0, $0xA;
	s2 =	sadd.s32 s3, s2  }
0x8d: {  	s2 =	sadd.s32 s2, s17  }
0x8e: {  	[smem:$0x3FBC] =	sst s2  }
0x8f: {  	_ = 	snop  }
0x90: {  	s2 =	sld [smem:$0x3FC9]  }
0x91: {  	s18 =	sld [smem:$0x3FC6]  }
0x92: {  	s4 =	sld [smem:$0x3FD0];
	(tm) =	ssettm $0x1  }
0x93: {  	s5 =	sld [smem:$0x3FFB];
	_ =	sdelay $0x3  }
0x94: {  	_ =	strace s5  }
0x95: {  	s5 =	sld [smem:$0x3FFC];
	_ =	sdelay $0x3  }
0x96: {  	_ =	strace s5  }
0x97: {  	s5 =	sld [smem:$0x3FFD];
	_ =	sdelay $0x3  }
0x98: {  	_ =	strace s5  }
0x99: {  	_ =	strace $0x8FFFFFFF  }
0x9a: {  	s19 =	sld [smem:$0x3FDB];
	_ =	sdelay $0x1  }
0x9b: {  	s6 =	simm.s32 $_scs_section_size  }
0x9c: {  	s7 =	simm.s32 $_size__tile_overlayer_lowered;
	s8 =	simm.s32 $_tile_overlayer_lowered  }
0x9d: {  	s22 =	simm.s32 $0x1BFF;
	s21 =	sshll.u32 s8, $0x1;
	s5 =	sadd.s32 s6, s19  }
0x9e: {  	s9 =	simm.s32 $0x0;
	s20 =	sshll.u32 s7, $0x1;
	s7 =	sadd.s32 s21, s5  }
0x9f: {  	[timem:s9], [sflag:s22] =	dma.local [hbm:s7], s20  }
0xa0: {  	_ =	swait.ge [sflag:s22], s20  }
0xa1: {  	s6 =	ssub.s32 $0x0, s20;
	[sflag:s22] =	ssyncset.done $0x0  }
0xa2: {  	[sflag:s22] =	ssyncadd.s32 s6;
	_ =	sdelay $0x1  }
0xa3: {  	s23 =	simm.s32 $0x1B8B  }
0xa4: {  	_ =	swait.ge [sflag:s23], $0x1  }
0xa5: {  	[sflag:s23] =	ssyncset.done $0x0  }
0xa6: {  	s25 =	simm.s32 $0x1B8E;
	s24 =	sld [smem:$0x3FFE];
	[sflag:s23] =	ssyncadd.s32 $0xFFFFFFFF  }
0xa7: {  	s26 =	simm.s32 $execute0_lowered;
	[smem:$0x3FD2] =	sst s25  }
0xa8: {  	s7 =	sshll.u32 s26, $0x1;
	_ =	strace $0x80000046;
	[dreg:$0x1] =	wrdreg $0xFFFFFFFF  }
0xa9: {  	s28 =	simm.s32 $_size_execute0_lowered;
	s5 =	sadd.s32 s5, s7;
	[dreg:$0x0] =	wrdreg $0x0  }
0xaa: {  	s7 =	sshll.u32 s28, $0x1;
	[dreg:$0x2] =	wrdreg s5  }
0xab: {  	[dreg:$0x3] =	wrdreg s7  }
0xac: {  	[dreg:$0x4] =	wrdreg $0xC0  }
0xad: {  	_ =	task [dreg:s9], $0x5FFFF  }
0xae: {  	[dreg:$0x1] =	wrdreg $0xFFFFFFFF  }
0xaf: {  	[dreg:$0x0] =	wrdreg $0x60  }
0xb0: {  	[dreg:$0x2] =	wrdreg s2  }
0xb1: {  	[dreg:$0x3] =	wrdreg s24  }
0xb2: {  	[dreg:$0x4] =	wrdreg s18  }
0xb3: {  	[dreg:$0x5] =	wrdreg s4  }
0xb4: {  	[dreg:$0x6] =	wrdreg $0x9  }
0xb5: {  	_ =	task.clear_ibuf [dreg:s9], $0x7FFFF;
	_ =	strace $0x90000046  }
0xb6: {  	s29 =	simm.s32 $0x9;
	_ =	strace $0x80000048  }
0xb7: {  	_ =	swait.ge [sflag:s29], $0x1  }
0xb8: {  	[sflag:s29] =	ssyncadd.s32 $0xFFFFFFFF  }
0xb9: {  	_ =	strace $0x90000048  }
0xba: {  	_ =	sfence  }
0xbb: {  	s30 =	sld [smem:$0x0];
	_ =	sdelay $0x2  }
0xbc: {  	s31 =	sshll.u32 s1, $0xD;
	s1 =	sshrl.u32 s1, $0x2  }
0xbd: {  	s3 =	sand.u32 $0x4000, s31;
	s1 =	sadd.s32 s1, s30  }
0xbe: {  	s0 =	sor.u32 s3, s0;
	s1 =	sshll.u32 s1, $0x11  }
0xbf: {  	s0 =	sor.u32 s1, s0  }
0xc0: {  	s0 =	sadd.s32 $0x8F2B, s0  }
0xc1: {  	[sflag:s0] =	ssyncadd.remote.s32 $0x1  }
0xc2: {  	_ =	sfence.sel $0xFFFF  }
0xc3: {  	[dreg:$0x0] =	wrdreg $0xFFFFFFFF;
	(pc) =	sbr.abs _section_cstart, $3  }
0xc4: {  	[dreg:$0x1] =	wrdreg $0xFFFFFFFF  }
0xc5: {  	_ =	task.clear_ibuf [dreg:s9], $0x2FFFF;
	_ =	strace $0x9FFFFFFF  }
0xc6: {  	(tm) =	ssettm $0x7FFFFFFF  }
0xc7: {  	_ =	shalt  }
tec
execute0_lowered:
.L_overlay_start_1:
0x0: {  	(tag) =	ssettag $0x1  }
0x1: {  	s0 =	srdreg.scid;
	s9 =	rddreg [dreg:$0x0]  }
0x2: {  	s1 =	stileid.u32;
	s10 =	rddreg [dreg:$0x1]  }
0x3: {  	s5 =	simm.s32 $0x1;
	s0 =	sand.u32 $0x1, s0;
	s1 =	sshll.u32 s1, $0x1  }
0x4: {  	s4 =	rddreg [dreg:$0x3];
	s7 =	simm.s32 $0x1;
	s2 =	sor.u32 s0, s1  }
0x5: {  	s16 =	simm.s32 $0x5000;
	s18 =	simm.s32 $0x2;
	s1 =	smul.u32 $0x64, s2  }
0x6: {  	s19 =	simm.s32 $0x11000;
	s28 =	simm.s32 $0x3;
	s29 =	simm.s32 $0x4  }
0x7: {  	s30 =	simm.s32 $0x5;
	s8 =	sshrl.u32 s1, $0x4;
	s3 =	sand.u32 $0x70, s1  }
0x8: {  	s0 =	ssub.s32 $0x2, s0;
	p0 =	seq.s32 s8, $0x0;
	p1 =	sne.s32 s3, $0x0  }
0x9: {  	s31 =	simm.s32 $0x6;
	s22 =	sshrl.u32 s0, $0x1;
	p0 =	por !p0, !p1  }
0xa: {  	s2 =	sshll.u32 s2, $0xB;
	s0 =	ssub.s32 s0, s22;
	p0 =	por !p0, !p0  }
0xb: {  	s2 =	sand.u32 $0x1800, s2;
	s6 =	sshrl.u32 s1, $0x7;
	s5 =	simm.s32 @!p0 $0x0  }
0xc: {  	s3 =	rddreg [dreg:$0x2];
	s6 =	ssub.s32 s6, s5;
	s5 =	simm.s32 $0x0  }
0xd: {  	s26 =	sadd.s32 $0x4, s1;
	s0 =	smax.u32 s0, $0x1;
	[smem:$0x7FF] =	sst s5  }
0xe: {  	s6 =	sshll.u32 s6, $0x3;
	_ =	strace $0x80000047;
	[dreg:$0x8] =	wrdreg s26  }
0xf: {  	s23 =	sshll.u32 s1, $0x3;
	p0 =	slt.s32 s6, $0xB8;
	[dreg:$0x9] =	wrdreg s0  }
0x10: {  	s0 =	simm.s32 $0xD000;
	s26 =	simm.s32 $0x14800;
	s6 =	simm.s32 @!p0 $0xB8  }
0x11: {  	s11 =	sshll.u32 s6, $0x5;
	s8 =	ssub.s32 s8, s6;
	s12 =	sshll.u32 s6, $0x7  }
0x12: {  	s10 =	sadd.s32 s11, s10;
	s8 =	sshll.u32 s8, $0xA;
	s11 =	sand.u32 $0x380, s23  }
.Ltmp0:
0x13: {  	s24 =	sadd.s32 s9, s12;
	s12 =	sadd.s32 $0x5, s1;
	(pc) =	sbr.rel .LBB2_1-.Ltmp0, $4  }
0x14: {  	s23 =	simm.s32 $0x13000;
	s9 =	simm.s32 $0x0;
	s8 =	sand.u32 $0xFFFFE000, s8  }
0x15: {  	v2 =	vlaneseq.u32;
	[dreg:$0x5] =	wrdreg s24;
	s25 =	sadd.s32 $0x1800, s10;
	s2 =	sor.u32 s2, s8  }
0x16: {  	vm0 =	vmmov $0xffff;
	v1 =	vshrl.u32 v2, $0x3;
	s24 =	simm.s32 $0x9000;
	[dreg:$0x6] =	wrdreg s25;
	s2 =	sor.u32 s11, s2  }
0x17: {  	v0 =	vand.u32 $0x7, v2;
	v2 =	vor.u32 $0x8, v2;
	v1 =	vmul.u32 $0x8, v1;
	s25 =	simm.s32 $0x14000;
	s11 =	simm.s32 $0x13800;
	[dreg:$0x7] =	wrdreg s2  }
.LBB2_14:
0x18: {  	_ =	swait.ge [sflag:s30], $0x4000  }
0x19: {  	[sflag:s30] =	ssyncset.done $0x0  }
0x1a: {  	[sflag:s30] =	ssyncadd.s32 $0xFFFFC000  }
0x1b: {  	_ =	swait.ge [sflag:s31], $0x4000  }
0x1c: {  	[sflag:s31] =	ssyncset.done $0x0  }
0x1d: {  	s2 =	simm.s32 $0x7;
	[sflag:s31] =	ssyncadd.s32 $0xFFFFC000  }
0x1e: {  	_ =	swait.ge [sflag:s2], $0x4000  }
0x1f: {  	[sflag:s2] =	ssyncset.done $0x0  }
0x20: {  	s8 =	simm.s32 $0x8;
	[sflag:s2] =	ssyncadd.s32 $0xFFFFC000  }
0x21: {  	_ =	swait.ge [sflag:s8], $0x4000  }
0x22: {  	s9 =	rddreg [dreg:$0xa]  }
0x23: {  	s22 =	rddreg [dreg:$0x9];
	s9 =	sadd.s32 $0x1, s9  }
0x24: {  	p0 =	sne.s32 s9, s22  }
.Ltmp1:
0x25: {  	_ = 	snop;
	(pc) =	sbr.rel @!p0 .LBB2_15-.Ltmp1, $3  }
0x26: {  	_ =	sdelay $0x1  }
0x27: {  	[sflag:s8] =	ssyncset.done $0x0  }
0x28: {  	[sflag:s8] =	ssyncadd.s32 $0xFFFFC000  }
.LBB2_1:
0x29: {  	[dreg:$0xa] =	wrdreg s9  }
0x2a: {  	s2 =	rddreg [dreg:$0x5];
	s8 =	simm.s32 $0x9  }
0x2b: {  	[tilespmem:s5], [sflag:$0x9] =	stream.linear.gather [hbm4b:s2+s5], $0x4000, $0x38;
	[tilespmem:$0x15000] =	vst v63  }
0x2c: {  	_ =	swait.ge [sflag:s8], $0x4000  }
0x2d: {  	[sflag:s8] =	ssyncset.done $0x0  }
0x2e: {  	s14 =	simm.s32 $0x4000;
	s13 =	rddreg [dreg:$0x6];
	[sflag:s8] =	ssyncadd.s32 $0xFFFFC000  }
0x2f: {  	[tilespmem:s14], [sflag:$0x9] =	stream.linear.gather [hbm4b:s13+s5], $0x1000, $0x38;
	[tilespmem:$0x15000] =	vst v63  }
0x30: {  	_ =	swait.ge [sflag:s8], $0x1000  }
0x31: {  	[sflag:s8] =	ssyncset.done $0x0  }
0x32: {  	s2 =	rddreg [dreg:$0x7];
	[sflag:s8] =	ssyncadd.s32 $0xFFFFF000  }
0x33: {  	v3 =	vld [tilespmem:s2+$0x0];
	_ =	sdelay $0x4  }
0x34: {  	v4 =	vshll.u32 v3, $0x1  }
0x35: {  	v3 =	vand.u32 $0x7, v3;
	v4 =	vand.u32 $0xFFFFFFF0, v4  }
0x36: {  	v3 =	vor.u32 v3, v4  }
0x37: {  	v4 =	vperm.xlane v3, v0;
	_ =	sdelay $0x1  }
0x38: {  	v3 =	vperm.xlane v3, v2;
	v4 =	vadd.s32 v1, v4;
	_ =	sdelay $0x1  }
0x39: {  	v3 =	vadd.s32 v1, v3;
	_ =	sdelay $0x2  }
0x3a: {  	[tilespmem:s16], [sflag:$0x1] =	stream.indirect_vreg.gather [hbm4b:s3+s5], $0x80, v4, vm0, $0xb8;
	[tilespmem:$0x15000] =	vst v63  }
0x3b: {  	s15 =	simm.s32 $0x5800  }
0x3c: {  	[tilespmem:s15], [sflag:$0x1] =	stream.indirect_vreg.gather [hbm4b:s3+s5], $0x80, v3, vm0, $0xb8;
	[tilespmem:$0x15000] =	vst v63  }
0x3d: {  	v3 =	vld [tilespmem:s2+$0x10];
	_ =	sdelay $0x4  }
0x3e: {  	v57 =	vshll.u32 v3, $0x1  }
0x3f: {  	v3 =	vand.u32 $0x7, v3;
	v4 =	vand.u32 $0xFFFFFFF0, v57  }
0x40: {  	v3 =	vor.u32 v3, v4  }
0x41: {  	v4 =	vperm.xlane v3, v0;
	_ =	sdelay $0x1  }
0x42: {  	v3 =	vperm.xlane v3, v2;
	v4 =	vadd.s32 v1, v4;
	_ =	sdelay $0x1  }
0x43: {  	v3 =	vadd.s32 v1, v3;
	_ =	sdelay $0x1  }
0x44: {  	s17 =	simm.s32 $0x6000  }
0x45: {  	[tilespmem:s17], [sflag:$0x1] =	stream.indirect_vreg.gather [hbm4b:s3+s5], $0x80, v4, vm0, $0xb8;
	[tilespmem:$0x15000] =	vst v63  }
0x46: {  	s20 =	simm.s32 $0x6800  }
0x47: {  	[tilespmem:s20], [sflag:$0x1] =	stream.indirect_vreg.gather [hbm4b:s3+s5], $0x80, v3, vm0, $0xb8;
	[tilespmem:$0x15000] =	vst v63  }
0x48: {  	v3 =	vld [tilespmem:s2+$0x20];
	_ =	sdelay $0x4  }
0x49: {  	v58 =	vshll.u32 v3, $0x1  }
0x4a: {  	v3 =	vand.u32 $0x7, v3;
	v4 =	vand.u32 $0xFFFFFFF0, v58  }
0x4b: {  	v3 =	vor.u32 v3, v4  }
0x4c: {  	v4 =	vperm.xlane v3, v0;
	_ =	sdelay $0x1  }
0x4d: {  	v3 =	vperm.xlane v3, v2;
	v4 =	vadd.s32 v1, v4;
	_ =	sdelay $0x1  }
0x4e: {  	v3 =	vadd.s32 v1, v3;
	_ =	sdelay $0x1  }
0x4f: {  	s21 =	simm.s32 $0x7000  }
0x50: {  	[tilespmem:s21], [sflag:$0x1] =	stream.indirect_vreg.gather [hbm4b:s3+s5], $0x80, v4, vm0, $0xb8;
	[tilespmem:$0x15000] =	vst v63  }
0x51: {  	s22 =	simm.s32 $0x7800  }
0x52: {  	[tilespmem:s22], [sflag:$0x1] =	stream.indirect_vreg.gather [hbm4b:s3+s5], $0x80, v3, vm0, $0xb8;
	[tilespmem:$0x15000] =	vst v63  }
0x53: {  	v3 =	vld [tilespmem:s2+$0x30];
	_ =	sdelay $0x4  }
0x54: {  	v59 =	vshll.u32 v3, $0x1  }
0x55: {  	v3 =	vand.u32 $0x7, v3;
	v4 =	vand.u32 $0xFFFFFFF0, v59  }
0x56: {  	v3 =	vor.u32 v3, v4  }
0x57: {  	v4 =	vperm.xlane v3, v0;
	_ =	sdelay $0x1  }
0x58: {  	v3 =	vperm.xlane v3, v2;
	v4 =	vadd.s32 v1, v4;
	_ =	sdelay $0x1  }
0x59: {  	v3 =	vadd.s32 v1, v3;
	_ =	sdelay $0x1  }
0x5a: {  	s9 =	simm.s32 $0x8000  }
0x5b: {  	[tilespmem:s9], [sflag:$0x1] =	stream.indirect_vreg.gather [hbm4b:s3+s5], $0x80, v4, vm0, $0xb8;
	[tilespmem:$0x15000] =	vst v63  }
0x5c: {  	s10 =	simm.s32 $0x8800  }
0x5d: {  	[tilespmem:s10], [sflag:$0x1] =	stream.indirect_vreg.gather [hbm4b:s3+s5], $0x80, v3, vm0, $0xb8;
	[tilespmem:$0x15000] =	vst v63  }
0x5e: {  	v3 =	vld [tilespmem:s2+$0x40];
	_ =	sdelay $0x4  }
0x5f: {  	v60 =	vshll.u32 v3, $0x1  }
0x60: {  	v3 =	vand.u32 $0x7, v3;
	v4 =	vand.u32 $0xFFFFFFF0, v60  }
0x61: {  	v3 =	vor.u32 v3, v4  }
0x62: {  	v4 =	vperm.xlane v3, v0;
	_ =	sdelay $0x1  }
0x63: {  	v3 =	vperm.xlane v3, v2;
	v4 =	vadd.s32 v1, v4;
	_ =	sdelay $0x1  }
0x64: {  	v3 =	vadd.s32 v1, v3;
	_ =	sdelay $0x2  }
0x65: {  	[tilespmem:s24], [sflag:$0x2] =	stream.indirect_vreg.gather [hbm4b:s3+s5], $0x80, v4, vm0, $0xb8;
	[tilespmem:$0x15000] =	vst v63  }
0x66: {  	s13 =	simm.s32 $0x9800  }
0x67: {  	[tilespmem:s13], [sflag:$0x2] =	stream.indirect_vreg.gather [hbm4b:s3+s5], $0x80, v3, vm0, $0xb8;
	[tilespmem:$0x15000] =	vst v63  }
0x68: {  	v3 =	vld [tilespmem:s2+$0x50];
	_ =	sdelay $0x4  }
0x69: {  	v61 =	vshll.u32 v3, $0x1  }
0x6a: {  	v3 =	vand.u32 $0x7, v3;
	v4 =	vand.u32 $0xFFFFFFF0, v61  }
0x6b: {  	v3 =	vor.u32 v3, v4  }
0x6c: {  	v4 =	vperm.xlane v3, v0;
	_ =	sdelay $0x1  }
0x6d: {  	v3 =	vperm.xlane v3, v2;
	v4 =	vadd.s32 v1, v4;
	_ =	sdelay $0x1  }
0x6e: {  	v3 =	vadd.s32 v1, v3;
	_ =	sdelay $0x1  }
0x6f: {  	s14 =	simm.s32 $0xA000  }
0x70: {  	[tilespmem:s14], [sflag:$0x2] =	stream.indirect_vreg.gather [hbm4b:s3+s5], $0x80, v4, vm0, $0xb8;
	[tilespmem:$0x15000] =	vst v63  }
0x71: {  	s15 =	simm.s32 $0xA800  }
0x72: {  	[tilespmem:s15], [sflag:$0x2] =	stream.indirect_vreg.gather [hbm4b:s3+s5], $0x80, v3, vm0, $0xb8;
	[tilespmem:$0x15000] =	vst v63  }
0x73: {  	v3 =	vld [tilespmem:s2+$0x60];
	_ =	sdelay $0x4  }
0x74: {  	v62 =	vshll.u32 v3, $0x1  }
0x75: {  	v3 =	vand.u32 $0x7, v3;
	v4 =	vand.u32 $0xFFFFFFF0, v62  }
0x76: {  	v3 =	vor.u32 v3, v4  }
0x77: {  	v4 =	vperm.xlane v3, v0;
	_ =	sdelay $0x1  }
0x78: {  	v3 =	vperm.xlane v3, v2;
	v4 =	vadd.s32 v1, v4;
	_ =	sdelay $0x1  }
0x79: {  	v3 =	vadd.s32 v1, v3;
	_ =	sdelay $0x1  }
0x7a: {  	s17 =	simm.s32 $0xB000  }
0x7b: {  	[tilespmem:s17], [sflag:$0x2] =	stream.indirect_vreg.gather [hbm4b:s3+s5], $0x80, v4, vm0, $0xb8;
	[tilespmem:$0x15000] =	vst v63  }
0x7c: {  	s20 =	simm.s32 $0xB800  }
0x7d: {  	[tilespmem:s20], [sflag:$0x2] =	stream.indirect_vreg.gather [hbm4b:s3+s5], $0x80, v3, vm0, $0xb8;
	[tilespmem:$0x15000] =	vst v63  }
0x7e: {  	v3 =	vld [tilespmem:s2+$0x70];
	_ =	sdelay $0x4  }
0x7f: {  	v63 =	vshll.u32 v3, $0x1  }
0x80: {  	v3 =	vand.u32 $0x7, v3;
	v4 =	vand.u32 $0xFFFFFFF0, v63  }
0x81: {  	v3 =	vor.u32 v3, v4  }
0x82: {  	v4 =	vperm.xlane v3, v0;
	_ =	sdelay $0x1  }
0x83: {  	v3 =	vperm.xlane v3, v2;
	v4 =	vadd.s32 v1, v4;
	_ =	sdelay $0x1  }
0x84: {  	v3 =	vadd.s32 v1, v3;
	_ =	sdelay $0x1  }
0x85: {  	s21 =	simm.s32 $0xC000  }
0x86: {  	[tilespmem:s21], [sflag:$0x2] =	stream.indirect_vreg.gather [hbm4b:s3+s5], $0x80, v4, vm0, $0xb8;
	[tilespmem:$0x15000] =	vst v63  }
0x87: {  	s22 =	simm.s32 $0xC800;
	s2 =	simm.s32 $0x0  }
0x88: {  	[tilespmem:s22], [sflag:$0x2] =	stream.indirect_vreg.gather [hbm4b:s3+s5], $0x80, v3, vm0, $0xb8;
	[tilespmem:$0x15000] =	vst v63  }
.LBB2_2:
0x89: {  	s15 =	sshll.u32 s2, $0x2  }
0x8a: {  	s8 =	sadd.s32 s1, s15  }
0x8b: {  	s9 =	sshrl.u32 s8, $0x4  }
0x8c: {  	s9 =	ssub.s32 s9, s6  }
0x8d: {  	_ =	swait.ge [sflag:s7], $0x4000;
	s10 =	sshll.u32 s8, $0x3;
	s9 =	sshll.u32 s9, $0x8  }
0x8e: {  	[sflag:s7] =	ssyncset.done $0x0;
	s10 =	sand.u32 $0x380, s10;
	s9 =	sand.u32 $0xFFFFF800, s9  }
0x8f: {  	[sflag:s7] =	ssyncadd.s32 $0xFFFFC000;
	s9 =	sor.u32 s10, s9  }
0x90: {  	v3 =	vld [tilespmem:s9+$0x4000]  }
0x91: {  	v4 =	vld [tilespmem:s9+$0x4010]  }
0x92: {  	v5 =	vld [tilespmem:s9+$0x4020]  }
0x93: {  	v6 =	vld [tilespmem:s9+$0x4030]  }
0x94: {  	v7 =	vld [tilespmem:s9+$0x4040]  }
0x95: {  	v8 =	vld [tilespmem:s9+$0x4050]  }
0x96: {  	v9 =	vld [tilespmem:s9+$0x4060]  }
0x97: {  	v10 =	vld [tilespmem:s9+$0x4070]  }
0x98: {  	v11 =	vld [tilespmem:s9+$0x4400]  }
0x99: {  	v12 =	vld [tilespmem:s9+$0x4410]  }
0x9a: {  	v13 =	vld [tilespmem:s9+$0x4420]  }
0x9b: {  	v18 =	vld [tilespmem:s9+$0x4470]  }
0x9c: {  	v14 =	vld [tilespmem:s9+$0x4430]  }
0x9d: {  	s21 =	simm.s32 $0x0;
	v15 =	vld [tilespmem:s9+$0x4440]  }
0x9e: {  	s13 =	sand.u32 $0x3800, s21;
	s10 =	sand.u32 $0x380, s21;
	v16 =	vld [tilespmem:s9+$0x4450]  }
0x9f: {  	v17 =	vld [tilespmem:s9+$0x4460];
	s9 =	sor.u32 s10, s13  }
0xa0: {  	[tilespmem:s9+$0x5470] =	vst.add.f32.msk $0xffff, v18  }
0xa1: {  	[tilespmem:s9+$0x5000] =	vst.add.f32.msk $0xffff, v3  }
0xa2: {  	[tilespmem:s9+$0x5010] =	vst.add.f32.msk $0xffff, v4  }
0xa3: {  	[tilespmem:s9+$0x5020] =	vst.add.f32.msk $0xffff, v5  }
0xa4: {  	[tilespmem:s9+$0x5030] =	vst.add.f32.msk $0xffff, v6  }
0xa5: {  	[tilespmem:s9+$0x5040] =	vst.add.f32.msk $0xffff, v7  }
0xa6: {  	[tilespmem:s9+$0x5050] =	vst.add.f32.msk $0xffff, v8  }
0xa7: {  	[tilespmem:s9+$0x5060] =	vst.add.f32.msk $0xffff, v9  }
0xa8: {  	[tilespmem:s9+$0x5070] =	vst.add.f32.msk $0xffff, v10  }
0xa9: {  	[tilespmem:s9+$0x5400] =	vst.add.f32.msk $0xffff, v11  }
0xaa: {  	[tilespmem:s9+$0x5410] =	vst.add.f32.msk $0xffff, v12  }
0xab: {  	[tilespmem:s9+$0x5420] =	vst.add.f32.msk $0xffff, v13  }
0xac: {  	[tilespmem:s9+$0x5430] =	vst.add.f32.msk $0xffff, v14  }
0xad: {  	s22 =	simm.s32 $0x100;
	s10 =	simm.s32 $0x80;
	[tilespmem:s9+$0x5440] =	vst.add.f32.msk $0xffff, v15  }
0xae: {  	s14 =	sand.u32 $0x3800, s22;
	s13 =	simm.s32 $0x200;
	s17 =	sand.u32 $0x380, s10;
	[tilespmem:s9+$0x5450] =	vst.add.f32.msk $0xffff, v16  }
.LBB2_3:
0xaf: {  	p0 =	sne.s32 s13, $0x3F00;
	[tilespmem:s9+$0x5460] =	vst.add.f32.msk $0xffff, v17;
	s9 =	sor.u32 s17, s14  }
0xb0: {  	[tilespmem:s9+$0x5470] =	vst.add.f32.msk $0xffff, v18  }
0xb1: {  	[tilespmem:s9+$0x5000] =	vst.add.f32.msk $0xffff, v3  }
0xb2: {  	[tilespmem:s9+$0x5010] =	vst.add.f32.msk $0xffff, v4  }
0xb3: {  	[tilespmem:s9+$0x5020] =	vst.add.f32.msk $0xffff, v5  }
0xb4: {  	[tilespmem:s9+$0x5030] =	vst.add.f32.msk $0xffff, v6  }
0xb5: {  	[tilespmem:s9+$0x5040] =	vst.add.f32.msk $0xffff, v7  }
0xb6: {  	[tilespmem:s9+$0x5050] =	vst.add.f32.msk $0xffff, v8  }
0xb7: {  	[tilespmem:s9+$0x5060] =	vst.add.f32.msk $0xffff, v9  }
0xb8: {  	[tilespmem:s9+$0x5070] =	vst.add.f32.msk $0xffff, v10  }
0xb9: {  	[tilespmem:s9+$0x5400] =	vst.add.f32.msk $0xffff, v11  }
.Ltmp2:
0xba: {  	[tilespmem:s9+$0x5410] =	vst.add.f32.msk $0xffff, v12;
	(pc) =	sbr.rel @p0 .LBB2_3-.Ltmp2, $4  }
0xbb: {  	[tilespmem:s9+$0x5420] =	vst.add.f32.msk $0xffff, v13  }
0xbc: {  	[tilespmem:s9+$0x5430] =	vst.add.f32.msk $0xffff, v14  }
0xbd: {  	s10 =	sadd.s32 $0x80, s10;
	[tilespmem:s9+$0x5440] =	vst.add.f32.msk $0xffff, v15  }
0xbe: {  	s14 =	sand.u32 $0x3800, s13;
	s13 =	sadd.s32 $0x100, s13;
	s17 =	sand.u32 $0x380, s10;
	[tilespmem:s9+$0x5450] =	vst.add.f32.msk $0xffff, v16  }
0xbf: {  	s10 =	sor.u32 s17, s14;
	[tilespmem:s9+$0x5460] =	vst.add.f32.msk $0xffff, v17  }
0xc0: {  	[tilespmem:s10+$0x5470] =	vst.add.f32.msk $0xffff, v18  }
0xc1: {  	[tilespmem:s10+$0x5000] =	vst.add.f32.msk $0xffff, v3  }
0xc2: {  	[tilespmem:s10+$0x5010] =	vst.add.f32.msk $0xffff, v4  }
0xc3: {  	[tilespmem:s10+$0x5020] =	vst.add.f32.msk $0xffff, v5  }
0xc4: {  	[tilespmem:s10+$0x5030] =	vst.add.f32.msk $0xffff, v6  }
0xc5: {  	[tilespmem:s10+$0x5040] =	vst.add.f32.msk $0xffff, v7  }
0xc6: {  	[tilespmem:s10+$0x5050] =	vst.add.f32.msk $0xffff, v8  }
0xc7: {  	[tilespmem:s10+$0x5060] =	vst.add.f32.msk $0xffff, v9  }
0xc8: {  	[tilespmem:s10+$0x5070] =	vst.add.f32.msk $0xffff, v10  }
0xc9: {  	[tilespmem:s10+$0x5400] =	vst.add.f32.msk $0xffff, v11  }
0xca: {  	[tilespmem:s10+$0x5410] =	vst.add.f32.msk $0xffff, v12  }
0xcb: {  	[tilespmem:s10+$0x5420] =	vst.add.f32.msk $0xffff, v13  }
0xcc: {  	[tilespmem:s10+$0x5430] =	vst.add.f32.msk $0xffff, v14  }
0xcd: {  	[tilespmem:s10+$0x5440] =	vst.add.f32.msk $0xffff, v15  }
0xce: {  	s8 =	sshll.u32 s8, $0xB;
	s14 =	sor.u32 $0x2, s15;
	[tilespmem:s10+$0x5450] =	vst.add.f32.msk $0xffff, v16  }
0xcf: {  	[tilespmem:s10+$0x5460] =	vst.add.f32.msk $0xffff, v17;
	s8 =	sadd.s32 s4, s8;
	s9 =	sadd.s32 s1, s14  }
0xd0: {  	[hbm4b:s8+s5] =	stream.linear.scatter [tilespmem:s16], [sflag:$0x5], $0x4000, $0x38;
	[tilespmem:$0x15000] =	vst v63  }
0xd1: {  	p0 =	seq.s32 s2, $0x0;
	s8 =	sshrl.u32 s9, $0x4  }
0xd2: {  	s10 =	simm.s32 @!p0 $0x7;
	s13 =	ssub.s32 s8, s6  }
0xd3: {  	s17 =	sshll.u32 s9, $0x9;
	s21 =	sshll.u32 s9, $0x3;
	s8 =	sshll.u32 s13, $0xA  }
0xd4: {  	_ =	swait.ge @!p0 [sflag:s10], $0x4000;
	s20 =	sand.u32 $0x1C00, s17;
	s8 =	sand.u32 $0xFFFFE000, s8  }
0xd5: {  	s14 =	sand.u32 $0x380, s21;
	[sflag:s10] =	ssyncset.done @!p0 $0x0;
	s8 =	sor.u32 s20, s8  }
0xd6: {  	[sflag:s10] =	ssyncadd.s32 @!p0 $0xFFFFC000;
	s8 =	sor.u32 s14, s8  }
0xd7: {  	v3 =	vld [tilespmem:s8+$0x0];
	_ =	sdelay $0x4  }
0xd8: {  	v4 =	vshll.u32 v3, $0x1  }
0xd9: {  	v3 =	vand.u32 $0x7, v3;
	v4 =	vand.u32 $0xFFFFFFF0, v4  }
0xda: {  	v3 =	vor.u32 v3, v4  }
0xdb: {  	v4 =	vperm.xlane v3, v0;
	_ =	sdelay $0x1  }
0xdc: {  	v3 =	vperm.xlane v3, v2;
	v4 =	vadd.s32 v1, v4;
	_ =	sdelay $0x1  }
0xdd: {  	v3 =	vadd.s32 v1, v3;
	_ =	sdelay $0x1  }
0xde: {  	s10 =	simm.s32 $0x0  }
0xdf: {  	[tilespmem:s0], [sflag:$0x3] =	stream.indirect_vreg.gather [hbm4b:s3+s10], $0x80, v4, vm0, $0xb8;
	[tilespmem:$0x15000] =	vst v63  }
0xe0: {  	s22 =	simm.s32 $0xD800  }
0xe1: {  	[tilespmem:s22], [sflag:$0x3] =	stream.indirect_vreg.gather [hbm4b:s3+s10], $0x80, v3, vm0, $0xb8;
	[tilespmem:$0x15000] =	vst v63  }
0xe2: {  	v3 =	vld [tilespmem:s8+$0x10];
	_ =	sdelay $0x4  }
0xe3: {  	v4 =	vshll.u32 v3, $0x1  }
0xe4: {  	v3 =	vand.u32 $0x7, v3;
	v4 =	vand.u32 $0xFFFFFFF0, v4  }
0xe5: {  	v3 =	vor.u32 v3, v4  }
0xe6: {  	v4 =	vperm.xlane v3, v0;
	_ =	sdelay $0x1  }
0xe7: {  	v3 =	vperm.xlane v3, v2;
	v4 =	vadd.s32 v1, v4;
	_ =	sdelay $0x1  }
0xe8: {  	v3 =	vadd.s32 v1, v3;
	_ =	sdelay $0x1  }
0xe9: {  	s20 =	simm.s32 $0xE000  }
0xea: {  	[tilespmem:s20], [sflag:$0x3] =	stream.indirect_vreg.gather [hbm4b:s3+s10], $0x80, v4, vm0, $0xb8;
	[tilespmem:$0x15000] =	vst v63  }
0xeb: {  	s21 =	simm.s32 $0xE800  }
0xec: {  	[tilespmem:s21], [sflag:$0x3] =	stream.indirect_vreg.gather [hbm4b:s3+s10], $0x80, v3, vm0, $0xb8;
	[tilespmem:$0x15000] =	vst v63  }
0xed: {  	v3 =	vld [tilespmem:s8+$0x20];
	_ =	sdelay $0x4  }
0xee: {  	v4 =	vshll.u32 v3, $0x1  }
0xef: {  	v3 =	vand.u32 $0x7, v3;
	v4 =	vand.u32 $0xFFFFFFF0, v4  }
0xf0: {  	v3 =	vor.u32 v3, v4  }
0xf1: {  	v4 =	vperm.xlane v3, v0;
	_ =	sdelay $0x1  }
0xf2: {  	v3 =	vperm.xlane v3, v2;
	v4 =	vadd.s32 v1, v4;
	_ =	sdelay $0x1  }
0xf3: {  	v3 =	vadd.s32 v1, v3;
	_ =	sdelay $0x1  }
0xf4: {  	s22 =	simm.s32 $0xF000  }
0xf5: {  	[tilespmem:s22], [sflag:$0x3] =	stream.indirect_vreg.gather [hbm4b:s3+s10], $0x80, v4, vm0, $0xb8;
	[tilespmem:$0x15000] =	vst v63  }
0xf6: {  	s20 =	simm.s32 $0xF800  }
0xf7: {  	[tilespmem:s20], [sflag:$0x3] =	stream.indirect_vreg.gather [hbm4b:s3+s10], $0x80, v3, vm0, $0xb8;
	[tilespmem:$0x15000] =	vst v63  }
0xf8: {  	v3 =	vld [tilespmem:s8+$0x30];
	_ =	sdelay $0x4  }
0xf9: {  	v4 =	vshll.u32 v3, $0x1  }
0xfa: {  	v3 =	vand.u32 $0x7, v3;
	v4 =	vand.u32 $0xFFFFFFF0, v4  }
0xfb: {  	v3 =	vor.u32 v3, v4  }
0xfc: {  	v4 =	vperm.xlane v3, v0;
	_ =	sdelay $0x1  }
0xfd: {  	v3 =	vperm.xlane v3, v2;
	v4 =	vadd.s32 v1, v4;
	_ =	sdelay $0x1  }
0xfe: {  	s17 =	sadd.s32 s15, s1;
	v3 =	vadd.s32 v1, v3  }
0xff: {  	s8 =	sadd.s32 $0x1, s17  }
0x100: {  	s21 =	simm.s32 $0x10000;
	s20 =	sshrl.u32 s8, $0x4  }
0x101: {  	[tilespmem:s21], [sflag:$0x3] =	stream.indirect_vreg.gather [hbm4b:s3+s10], $0x80, v4, vm0, $0xb8;
	[tilespmem:$0x15000] =	vst v63  }
0x102: {  	s22 =	simm.s32 $0x10800;
	s17 =	ssub.s32 s20, s6  }
0x103: {  	[tilespmem:s22], [sflag:$0x3] =	stream.indirect_vreg.gather [hbm4b:s3+s10], $0x80, v3, vm0, $0xb8;
	[tilespmem:$0x15000] =	vst v63  }
0x104: {  	s20 =	sshll.u32 s8, $0x3;
	s17 =	sshll.u32 s17, $0x8;
	_ =	swait.ge [sflag:s18], $0x4000  }
0x105: {  	s20 =	sand.u32 $0x380, s20;
	s17 =	sand.u32 $0xFFFFF800, s17;
	[sflag:s18] =	ssyncset.done $0x0  }
0x106: {  	s17 =	sor.u32 s20, s17;
	[sflag:s18] =	ssyncadd.s32 $0xFFFFC000  }
0x107: {  	v3 =	vld [tilespmem:s17+$0x4000]  }
0x108: {  	v4 =	vld [tilespmem:s17+$0x4010]  }
0x109: {  	v5 =	vld [tilespmem:s17+$0x4020]  }
0x10a: {  	v6 =	vld [tilespmem:s17+$0x4030]  }
0x10b: {  	v7 =	vld [tilespmem:s17+$0x4040]  }
0x10c: {  	v8 =	vld [tilespmem:s17+$0x4050]  }
0x10d: {  	v9 =	vld [tilespmem:s17+$0x4060]  }
0x10e: {  	v10 =	vld [tilespmem:s17+$0x4070]  }
0x10f: {  	v11 =	vld [tilespmem:s17+$0x4400]  }
0x110: {  	v12 =	vld [tilespmem:s17+$0x4410]  }
0x111: {  	v13 =	vld [tilespmem:s17+$0x4420]  }
0x112: {  	v18 =	vld [tilespmem:s17+$0x4470]  }
0x113: {  	v15 =	vld [tilespmem:s17+$0x4430]  }
0x114: {  	v16 =	vld [tilespmem:s17+$0x4440]  }
0x115: {  	s21 =	sand.u32 $0x3800, s10;
	s10 =	sand.u32 $0x380, s10;
	v14 =	vld [tilespmem:s17+$0x4450]  }
0x116: {  	s10 =	sor.u32 s10, s21;
	v17 =	vld [tilespmem:s17+$0x4460]  }
0x117: {  	[tilespmem:s10+$0x9470] =	vst.add.f32.msk $0xffff, v18  }
0x118: {  	[tilespmem:s10+$0x9000] =	vst.add.f32.msk $0xffff, v3  }
0x119: {  	[tilespmem:s10+$0x9010] =	vst.add.f32.msk $0xffff, v4  }
0x11a: {  	[tilespmem:s10+$0x9020] =	vst.add.f32.msk $0xffff, v5  }
0x11b: {  	[tilespmem:s10+$0x9030] =	vst.add.f32.msk $0xffff, v6  }
0x11c: {  	[tilespmem:s10+$0x9040] =	vst.add.f32.msk $0xffff, v7  }
0x11d: {  	[tilespmem:s10+$0x9050] =	vst.add.f32.msk $0xffff, v8  }
0x11e: {  	[tilespmem:s10+$0x9060] =	vst.add.f32.msk $0xffff, v9  }
0x11f: {  	[tilespmem:s10+$0x9070] =	vst.add.f32.msk $0xffff, v10  }
0x120: {  	[tilespmem:s10+$0x9400] =	vst.add.f32.msk $0xffff, v11  }
0x121: {  	[tilespmem:s10+$0x9410] =	vst.add.f32.msk $0xffff, v12  }
0x122: {  	[tilespmem:s10+$0x9420] =	vst.add.f32.msk $0xffff, v13  }
0x123: {  	[tilespmem:s10+$0x9430] =	vst.add.f32.msk $0xffff, v15  }
0x124: {  	s22 =	simm.s32 $0x100;
	s17 =	simm.s32 $0x80;
	[tilespmem:s10+$0x9440] =	vst.add.f32.msk $0xffff, v16  }
0x125: {  	s20 =	simm.s32 $0x200;
	s21 =	sand.u32 $0x3800, s22;
	s22 =	sand.u32 $0x380, s17;
	[tilespmem:s10+$0x9450] =	vst.add.f32.msk $0xffff, v14  }
.LBB2_5:
0x126: {  	p1 =	sne.s32 s20, $0x3F00;
	[tilespmem:s10+$0x9460] =	vst.add.f32.msk $0xffff, v17;
	s10 =	sor.u32 s22, s21  }
0x127: {  	[tilespmem:s10+$0x9470] =	vst.add.f32.msk $0xffff, v18  }
0x128: {  	[tilespmem:s10+$0x9000] =	vst.add.f32.msk $0xffff, v3  }
0x129: {  	[tilespmem:s10+$0x9010] =	vst.add.f32.msk $0xffff, v4  }
0x12a: {  	[tilespmem:s10+$0x9020] =	vst.add.f32.msk $0xffff, v5  }
0x12b: {  	[tilespmem:s10+$0x9030] =	vst.add.f32.msk $0xffff, v6  }
0x12c: {  	[tilespmem:s10+$0x9040] =	vst.add.f32.msk $0xffff, v7  }
0x12d: {  	[tilespmem:s10+$0x9050] =	vst.add.f32.msk $0xffff, v8  }
0x12e: {  	[tilespmem:s10+$0x9060] =	vst.add.f32.msk $0xffff, v9  }
0x12f: {  	[tilespmem:s10+$0x9070] =	vst.add.f32.msk $0xffff, v10  }
0x130: {  	[tilespmem:s10+$0x9400] =	vst.add.f32.msk $0xffff, v11  }
.Ltmp3:
0x131: {  	[tilespmem:s10+$0x9410] =	vst.add.f32.msk $0xffff, v12;
	(pc) =	sbr.rel @p1 .LBB2_5-.Ltmp3, $4  }
0x132: {  	[tilespmem:s10+$0x9420] =	vst.add.f32.msk $0xffff, v13  }
0x133: {  	[tilespmem:s10+$0x9430] =	vst.add.f32.msk $0xffff, v15  }
0x134: {  	s17 =	sadd.s32 $0x80, s17;
	[tilespmem:s10+$0x9440] =	vst.add.f32.msk $0xffff, v16  }
0x135: {  	s21 =	sand.u32 $0x3800, s20;
	s20 =	sadd.s32 $0x100, s20;
	s22 =	sand.u32 $0x380, s17;
	[tilespmem:s10+$0x9450] =	vst.add.f32.msk $0xffff, v14  }
0x136: {  	s17 =	sor.u32 s22, s21;
	[tilespmem:s10+$0x9460] =	vst.add.f32.msk $0xffff, v17  }
0x137: {  	[tilespmem:s17+$0x9470] =	vst.add.f32.msk $0xffff, v18  }
0x138: {  	[tilespmem:s17+$0x9000] =	vst.add.f32.msk $0xffff, v3  }
0x139: {  	[tilespmem:s17+$0x9010] =	vst.add.f32.msk $0xffff, v4  }
0x13a: {  	[tilespmem:s17+$0x9020] =	vst.add.f32.msk $0xffff, v5  }
0x13b: {  	[tilespmem:s17+$0x9030] =	vst.add.f32.msk $0xffff, v6  }
0x13c: {  	[tilespmem:s17+$0x9040] =	vst.add.f32.msk $0xffff, v7  }
0x13d: {  	[tilespmem:s17+$0x9050] =	vst.add.f32.msk $0xffff, v8  }
0x13e: {  	[tilespmem:s17+$0x9060] =	vst.add.f32.msk $0xffff, v9  }
0x13f: {  	[tilespmem:s17+$0x9070] =	vst.add.f32.msk $0xffff, v10  }
0x140: {  	[tilespmem:s17+$0x9400] =	vst.add.f32.msk $0xffff, v11  }
0x141: {  	[tilespmem:s17+$0x9410] =	vst.add.f32.msk $0xffff, v12  }
0x142: {  	[tilespmem:s17+$0x9420] =	vst.add.f32.msk $0xffff, v13  }
0x143: {  	[tilespmem:s17+$0x9430] =	vst.add.f32.msk $0xffff, v15  }
0x144: {  	s8 =	sshll.u32 s8, $0xB;
	[tilespmem:s17+$0x9440] =	vst.add.f32.msk $0xffff, v16  }
0x145: {  	[tilespmem:s17+$0x9450] =	vst.add.f32.msk $0xffff, v14;
	s8 =	sand.u32 $0x1FFFE800, s8  }
0x146: {  	s20 =	sor.u32 $0x3, s15;
	[tilespmem:s17+$0x9460] =	vst.add.f32.msk $0xffff, v17;
	s8 =	sadd.s32 s4, s8  }
0x147: {  	[hbm4b:s8+s5] =	stream.linear.scatter [tilespmem:s24], [sflag:$0x6], $0x4000, $0x38;
	[tilespmem:$0x15000] =	vst v63  }
0x148: {  	s8 =	sadd.s32 s1, s20  }
0x149: {  	s21 =	sshrl.u32 s8, $0x4  }
0x14a: {  	s20 =	simm.s32 @!p0 $0x8;
	s10 =	ssub.s32 s21, s6  }
0x14b: {  	_ =	swait.ge @!p0 [sflag:s20], $0x4000;
	s21 =	sshll.u32 s8, $0x9;
	s22 =	sshll.u32 s10, $0xA  }
0x14c: {  	s17 =	sshll.u32 s8, $0x3;
	s21 =	sand.u32 $0x1C00, s21;
	s22 =	sand.u32 $0xFFFFE000, s22  }
0x14d: {  	[sflag:s20] =	ssyncset.done @!p0 $0x0;
	s17 =	sand.u32 $0x380, s17;
	s21 =	sor.u32 s21, s22  }
0x14e: {  	[sflag:s20] =	ssyncadd.s32 @!p0 $0xFFFFC000;
	s20 =	sor.u32 s17, s21  }
0x14f: {  	v3 =	vld [tilespmem:s20+$0x40];
	_ =	sdelay $0x4  }
0x150: {  	v4 =	vshll.u32 v3, $0x1  }
0x151: {  	v3 =	vand.u32 $0x7, v3;
	v4 =	vand.u32 $0xFFFFFFF0, v4  }
0x152: {  	v3 =	vor.u32 v3, v4  }
0x153: {  	v4 =	vperm.xlane v3, v0;
	_ =	sdelay $0x1  }
0x154: {  	v3 =	vperm.xlane v3, v2;
	v4 =	vadd.s32 v1, v4;
	_ =	sdelay $0x1  }
0x155: {  	v3 =	vadd.s32 v1, v3;
	_ =	sdelay $0x1  }
0x156: {  	s21 =	simm.s32 $0x0  }
0x157: {  	[tilespmem:s19], [sflag:$0x4] =	stream.indirect_vreg.gather [hbm4b:s3+s21], $0x80, v4, vm0, $0xb8;
	[tilespmem:$0x15000] =	vst v63  }
0x158: {  	s22 =	simm.s32 $0x11800  }
0x159: {  	[tilespmem:s22], [sflag:$0x4] =	stream.indirect_vreg.gather [hbm4b:s3+s21], $0x80, v3, vm0, $0xb8;
	[tilespmem:$0x15000] =	vst v63  }
0x15a: {  	v3 =	vld [tilespmem:s20+$0x50];
	_ =	sdelay $0x4  }
0x15b: {  	v4 =	vshll.u32 v3, $0x1  }
0x15c: {  	v3 =	vand.u32 $0x7, v3;
	v4 =	vand.u32 $0xFFFFFFF0, v4  }
0x15d: {  	v3 =	vor.u32 v3, v4  }
0x15e: {  	v4 =	vperm.xlane v3, v0;
	_ =	sdelay $0x1  }
0x15f: {  	v3 =	vperm.xlane v3, v2;
	v4 =	vadd.s32 v1, v4;
	_ =	sdelay $0x1  }
0x160: {  	v3 =	vadd.s32 v1, v3;
	_ =	sdelay $0x1  }
0x161: {  	s22 =	simm.s32 $0x12000  }
0x162: {  	[tilespmem:s22], [sflag:$0x4] =	stream.indirect_vreg.gather [hbm4b:s3+s21], $0x80, v4, vm0, $0xb8;
	[tilespmem:$0x15000] =	vst v63  }
0x163: {  	s22 =	simm.s32 $0x12800  }
0x164: {  	[tilespmem:s22], [sflag:$0x4] =	stream.indirect_vreg.gather [hbm4b:s3+s21], $0x80, v3, vm0, $0xb8;
	[tilespmem:$0x15000] =	vst v63  }
0x165: {  	v3 =	vld [tilespmem:s20+$0x60];
	_ =	sdelay $0x4  }
0x166: {  	v4 =	vshll.u32 v3, $0x1  }
0x167: {  	v3 =	vand.u32 $0x7, v3;
	v4 =	vand.u32 $0xFFFFFFF0, v4  }
0x168: {  	v3 =	vor.u32 v3, v4  }
0x169: {  	v4 =	vperm.xlane v3, v0;
	_ =	sdelay $0x1  }
0x16a: {  	v3 =	vperm.xlane v3, v2;
	v4 =	vadd.s32 v1, v4;
	_ =	sdelay $0x1  }
0x16b: {  	v3 =	vadd.s32 v1, v3;
	_ =	sdelay $0x2  }
0x16c: {  	[tilespmem:s23], [sflag:$0x4] =	stream.indirect_vreg.gather [hbm4b:s3+s21], $0x80, v4, vm0, $0xb8;
	[tilespmem:$0x15000] =	vst v63  }
0x16d: {  	_ = 	snop  }
0x16e: {  	[tilespmem:s11], [sflag:$0x4] =	stream.indirect_vreg.gather [hbm4b:s3+s21], $0x80, v3, vm0, $0xb8;
	[tilespmem:$0x15000] =	vst v63  }
0x16f: {  	v3 =	vld [tilespmem:s20+$0x70];
	_ =	sdelay $0x4  }
0x170: {  	v4 =	vshll.u32 v3, $0x1  }
0x171: {  	v3 =	vand.u32 $0x7, v3;
	v4 =	vand.u32 $0xFFFFFFF0, v4  }
0x172: {  	v3 =	vor.u32 v3, v4  }
0x173: {  	v4 =	vperm.xlane v3, v0;
	_ =	sdelay $0x1  }
0x174: {  	v3 =	vperm.xlane v3, v2;
	v4 =	vadd.s32 v1, v4;
	_ =	sdelay $0x1  }
0x175: {  	v3 =	vadd.s32 v1, v3;
	_ =	sdelay $0x2  }
0x176: {  	[tilespmem:s25], [sflag:$0x4] =	stream.indirect_vreg.gather [hbm4b:s3+s21], $0x80, v4, vm0, $0xb8;
	[tilespmem:$0x15000] =	vst v63  }
0x177: {  	_ = 	snop  }
0x178: {  	[tilespmem:s26], [sflag:$0x4] =	stream.indirect_vreg.gather [hbm4b:s3+s21], $0x80, v3, vm0, $0xb8;
	[tilespmem:$0x15000] =	vst v63  }
0x179: {  	s13 =	sshll.u32 s13, $0x8;
	_ =	swait.ge [sflag:s28], $0x4000  }
0x17a: {  	s13 =	sand.u32 $0xFFFFF800, s13;
	[sflag:s28] =	ssyncset.done $0x0  }
0x17b: {  	s13 =	sor.u32 s14, s13;
	[sflag:s28] =	ssyncadd.s32 $0xFFFFC000  }
0x17c: {  	v3 =	vld [tilespmem:s13+$0x4000]  }
0x17d: {  	v4 =	vld [tilespmem:s13+$0x4010]  }
0x17e: {  	v5 =	vld [tilespmem:s13+$0x4020]  }
0x17f: {  	v6 =	vld [tilespmem:s13+$0x4030]  }
0x180: {  	v7 =	vld [tilespmem:s13+$0x4040]  }
0x181: {  	v8 =	vld [tilespmem:s13+$0x4050]  }
0x182: {  	v9 =	vld [tilespmem:s13+$0x4060]  }
0x183: {  	v10 =	vld [tilespmem:s13+$0x4070]  }
0x184: {  	v11 =	vld [tilespmem:s13+$0x4400]  }
0x185: {  	v12 =	vld [tilespmem:s13+$0x4410]  }
0x186: {  	v13 =	vld [tilespmem:s13+$0x4420]  }
0x187: {  	v18 =	vld [tilespmem:s13+$0x4470]  }
0x188: {  	v15 =	vld [tilespmem:s13+$0x4430]  }
0x189: {  	v16 =	vld [tilespmem:s13+$0x4440]  }
0x18a: {  	s20 =	sand.u32 $0x3800, s21;
	s21 =	sand.u32 $0x380, s21;
	v14 =	vld [tilespmem:s13+$0x4450]  }
0x18b: {  	v17 =	vld [tilespmem:s13+$0x4460];
	s13 =	sor.u32 s21, s20  }
0x18c: {  	[tilespmem:s13+$0xD470] =	vst.add.f32.msk $0xffff, v18  }
0x18d: {  	[tilespmem:s13+$0xD000] =	vst.add.f32.msk $0xffff, v3  }
0x18e: {  	[tilespmem:s13+$0xD010] =	vst.add.f32.msk $0xffff, v4  }
0x18f: {  	[tilespmem:s13+$0xD020] =	vst.add.f32.msk $0xffff, v5  }
0x190: {  	[tilespmem:s13+$0xD030] =	vst.add.f32.msk $0xffff, v6  }
0x191: {  	[tilespmem:s13+$0xD040] =	vst.add.f32.msk $0xffff, v7  }
0x192: {  	[tilespmem:s13+$0xD050] =	vst.add.f32.msk $0xffff, v8  }
0x193: {  	[tilespmem:s13+$0xD060] =	vst.add.f32.msk $0xffff, v9  }
0x194: {  	[tilespmem:s13+$0xD070] =	vst.add.f32.msk $0xffff, v10  }
0x195: {  	[tilespmem:s13+$0xD400] =	vst.add.f32.msk $0xffff, v11  }
0x196: {  	[tilespmem:s13+$0xD410] =	vst.add.f32.msk $0xffff, v12  }
0x197: {  	[tilespmem:s13+$0xD420] =	vst.add.f32.msk $0xffff, v13  }
0x198: {  	[tilespmem:s13+$0xD430] =	vst.add.f32.msk $0xffff, v15  }
0x199: {  	s14 =	simm.s32 $0x80;
	s22 =	simm.s32 $0x100;
	[tilespmem:s13+$0xD440] =	vst.add.f32.msk $0xffff, v16  }
0x19a: {  	s21 =	sand.u32 $0x3800, s22;
	s22 =	sand.u32 $0x380, s14;
	s20 =	simm.s32 $0x200;
	[tilespmem:s13+$0xD450] =	vst.add.f32.msk $0xffff, v14  }
.LBB2_7:
0x19b: {  	p0 =	sne.s32 s20, $0x3F00;
	[tilespmem:s13+$0xD460] =	vst.add.f32.msk $0xffff, v17;
	s13 =	sor.u32 s22, s21  }
0x19c: {  	[tilespmem:s13+$0xD470] =	vst.add.f32.msk $0xffff, v18  }
0x19d: {  	[tilespmem:s13+$0xD000] =	vst.add.f32.msk $0xffff, v3  }
0x19e: {  	[tilespmem:s13+$0xD010] =	vst.add.f32.msk $0xffff, v4  }
0x19f: {  	[tilespmem:s13+$0xD020] =	vst.add.f32.msk $0xffff, v5  }
0x1a0: {  	[tilespmem:s13+$0xD030] =	vst.add.f32.msk $0xffff, v6  }
0x1a1: {  	[tilespmem:s13+$0xD040] =	vst.add.f32.msk $0xffff, v7  }
0x1a2: {  	[tilespmem:s13+$0xD050] =	vst.add.f32.msk $0xffff, v8  }
0x1a3: {  	[tilespmem:s13+$0xD060] =	vst.add.f32.msk $0xffff, v9  }
0x1a4: {  	[tilespmem:s13+$0xD070] =	vst.add.f32.msk $0xffff, v10  }
0x1a5: {  	[tilespmem:s13+$0xD400] =	vst.add.f32.msk $0xffff, v11  }
.Ltmp4:
0x1a6: {  	[tilespmem:s13+$0xD410] =	vst.add.f32.msk $0xffff, v12;
	(pc) =	sbr.rel @p0 .LBB2_7-.Ltmp4, $4  }
0x1a7: {  	[tilespmem:s13+$0xD420] =	vst.add.f32.msk $0xffff, v13  }
0x1a8: {  	[tilespmem:s13+$0xD430] =	vst.add.f32.msk $0xffff, v15  }
0x1a9: {  	s14 =	sadd.s32 $0x80, s14;
	[tilespmem:s13+$0xD440] =	vst.add.f32.msk $0xffff, v16  }
0x1aa: {  	s21 =	sand.u32 $0x3800, s20;
	s20 =	sadd.s32 $0x100, s20;
	s22 =	sand.u32 $0x380, s14;
	[tilespmem:s13+$0xD450] =	vst.add.f32.msk $0xffff, v14  }
0x1ab: {  	s14 =	sor.u32 s22, s21;
	[tilespmem:s13+$0xD460] =	vst.add.f32.msk $0xffff, v17  }
0x1ac: {  	[tilespmem:s14+$0xD470] =	vst.add.f32.msk $0xffff, v18  }
0x1ad: {  	[tilespmem:s14+$0xD000] =	vst.add.f32.msk $0xffff, v3  }
0x1ae: {  	[tilespmem:s14+$0xD010] =	vst.add.f32.msk $0xffff, v4  }
0x1af: {  	[tilespmem:s14+$0xD020] =	vst.add.f32.msk $0xffff, v5  }
0x1b0: {  	[tilespmem:s14+$0xD030] =	vst.add.f32.msk $0xffff, v6  }
0x1b1: {  	[tilespmem:s14+$0xD040] =	vst.add.f32.msk $0xffff, v7  }
0x1b2: {  	[tilespmem:s14+$0xD050] =	vst.add.f32.msk $0xffff, v8  }
0x1b3: {  	[tilespmem:s14+$0xD060] =	vst.add.f32.msk $0xffff, v9  }
0x1b4: {  	[tilespmem:s14+$0xD070] =	vst.add.f32.msk $0xffff, v10  }
0x1b5: {  	[tilespmem:s14+$0xD400] =	vst.add.f32.msk $0xffff, v11  }
0x1b6: {  	[tilespmem:s14+$0xD410] =	vst.add.f32.msk $0xffff, v12  }
0x1b7: {  	p0 =	seq.s32 s2, $0x18;
	[tilespmem:s14+$0xD420] =	vst.add.f32.msk $0xffff, v13  }
.Ltmp5:
0x1b8: {  	[tilespmem:s14+$0xD430] =	vst.add.f32.msk $0xffff, v15;
	(pc) =	sbr.rel @p0 .LBB2_10-.Ltmp5, $4  }
0x1b9: {  	s9 =	sshll.u32 s9, $0xB;
	[tilespmem:s14+$0xD440] =	vst.add.f32.msk $0xffff, v16  }
0x1ba: {  	[tilespmem:s14+$0xD450] =	vst.add.f32.msk $0xffff, v14;
	s9 =	sand.u32 $0x1FFFF000, s9  }
0x1bb: {  	[tilespmem:s14+$0xD460] =	vst.add.f32.msk $0xffff, v17;
	s9 =	sadd.s32 s4, s9  }
0x1bc: {  	[hbm4b:s9+s5] =	stream.linear.scatter [tilespmem:s0], [sflag:$0x7], $0x4000, $0x38;
	[tilespmem:$0x15000] =	vst v63  }
0x1bd: {  	s9 =	rddreg [dreg:$0x8]  }
0x1be: {  	s9 =	sadd.s32 s15, s9  }
0x1bf: {  	s13 =	sshrl.u32 s9, $0x4  }
0x1c0: {  	s13 =	ssub.s32 s13, s6  }
0x1c1: {  	_ =	swait.ge [sflag:s30], $0x4000;
	s14 =	sshll.u32 s9, $0x9;
	s13 =	sshll.u32 s13, $0xA  }
0x1c2: {  	s9 =	sshll.u32 s9, $0x3;
	s14 =	sand.u32 $0x1800, s14;
	s13 =	sand.u32 $0xFFFFE000, s13  }
0x1c3: {  	[sflag:s30] =	ssyncset.done $0x0;
	s9 =	sand.u32 $0x380, s9;
	s13 =	sor.u32 s14, s13  }
0x1c4: {  	[sflag:s30] =	ssyncadd.s32 $0xFFFFC000;
	s9 =	sor.u32 s9, s13  }
0x1c5: {  	v3 =	vld [tilespmem:s9+$0x0];
	_ =	sdelay $0x4  }
0x1c6: {  	v4 =	vshll.u32 v3, $0x1  }
0x1c7: {  	v3 =	vand.u32 $0x7, v3;
	v4 =	vand.u32 $0xFFFFFFF0, v4  }
0x1c8: {  	v3 =	vor.u32 v3, v4  }
0x1c9: {  	v4 =	vperm.xlane v3, v0;
	_ =	sdelay $0x1  }
0x1ca: {  	v3 =	vperm.xlane v3, v2;
	v4 =	vadd.s32 v1, v4;
	_ =	sdelay $0x1  }
0x1cb: {  	v3 =	vadd.s32 v1, v3;
	_ =	sdelay $0x2  }
0x1cc: {  	[tilespmem:s16], [sflag:$0x1] =	stream.indirect_vreg.gather [hbm4b:s3+s5], $0x80, v4, vm0, $0xb8;
	[tilespmem:$0x15000] =	vst v63  }
0x1cd: {  	s20 =	simm.s32 $0x5800  }
0x1ce: {  	[tilespmem:s20], [sflag:$0x1] =	stream.indirect_vreg.gather [hbm4b:s3+s5], $0x80, v3, vm0, $0xb8;
	[tilespmem:$0x15000] =	vst v63  }
0x1cf: {  	v3 =	vld [tilespmem:s9+$0x10];
	_ =	sdelay $0x4  }
0x1d0: {  	v61 =	vshll.u32 v3, $0x1  }
0x1d1: {  	v3 =	vand.u32 $0x7, v3;
	v4 =	vand.u32 $0xFFFFFFF0, v61  }
0x1d2: {  	v3 =	vor.u32 v3, v4  }
0x1d3: {  	v4 =	vperm.xlane v3, v0;
	_ =	sdelay $0x1  }
0x1d4: {  	v3 =	vperm.xlane v3, v2;
	v4 =	vadd.s32 v1, v4;
	_ =	sdelay $0x1  }
0x1d5: {  	v3 =	vadd.s32 v1, v3;
	_ =	sdelay $0x1  }
0x1d6: {  	s21 =	simm.s32 $0x6000  }
0x1d7: {  	[tilespmem:s21], [sflag:$0x1] =	stream.indirect_vreg.gather [hbm4b:s3+s5], $0x80, v4, vm0, $0xb8;
	[tilespmem:$0x15000] =	vst v63  }
0x1d8: {  	s22 =	simm.s32 $0x6800  }
0x1d9: {  	[tilespmem:s22], [sflag:$0x1] =	stream.indirect_vreg.gather [hbm4b:s3+s5], $0x80, v3, vm0, $0xb8;
	[tilespmem:$0x15000] =	vst v63  }
0x1da: {  	v3 =	vld [tilespmem:s9+$0x20];
	_ =	sdelay $0x4  }
0x1db: {  	v62 =	vshll.u32 v3, $0x1  }
0x1dc: {  	v3 =	vand.u32 $0x7, v3;
	v4 =	vand.u32 $0xFFFFFFF0, v62  }
0x1dd: {  	v3 =	vor.u32 v3, v4  }
0x1de: {  	v4 =	vperm.xlane v3, v0;
	_ =	sdelay $0x1  }
0x1df: {  	v3 =	vperm.xlane v3, v2;
	v4 =	vadd.s32 v1, v4;
	_ =	sdelay $0x1  }
0x1e0: {  	v3 =	vadd.s32 v1, v3;
	_ =	sdelay $0x1  }
0x1e1: {  	s14 =	simm.s32 $0x7000  }
0x1e2: {  	[tilespmem:s14], [sflag:$0x1] =	stream.indirect_vreg.gather [hbm4b:s3+s5], $0x80, v4, vm0, $0xb8;
	[tilespmem:$0x15000] =	vst v63  }
0x1e3: {  	s20 =	simm.s32 $0x7800  }
0x1e4: {  	[tilespmem:s20], [sflag:$0x1] =	stream.indirect_vreg.gather [hbm4b:s3+s5], $0x80, v3, vm0, $0xb8;
	[tilespmem:$0x15000] =	vst v63  }
0x1e5: {  	v3 =	vld [tilespmem:s9+$0x30];
	_ =	sdelay $0x4  }
0x1e6: {  	v63 =	vshll.u32 v3, $0x1  }
0x1e7: {  	v3 =	vand.u32 $0x7, v3;
	v4 =	vand.u32 $0xFFFFFFF0, v63  }
0x1e8: {  	v3 =	vor.u32 v3, v4  }
0x1e9: {  	v4 =	vperm.xlane v3, v0;
	_ =	sdelay $0x1  }
0x1ea: {  	v3 =	vperm.xlane v3, v2;
	v4 =	vadd.s32 v1, v4;
	_ =	sdelay $0x1  }
0x1eb: {  	v3 =	vadd.s32 v1, v3;
	_ =	sdelay $0x1  }
0x1ec: {  	s21 =	simm.s32 $0x8000  }
0x1ed: {  	[tilespmem:s21], [sflag:$0x1] =	stream.indirect_vreg.gather [hbm4b:s3+s5], $0x80, v4, vm0, $0xb8;
	[tilespmem:$0x15000] =	vst v63  }
0x1ee: {  	s22 =	simm.s32 $0x8800  }
0x1ef: {  	[tilespmem:s22], [sflag:$0x1] =	stream.indirect_vreg.gather [hbm4b:s3+s5], $0x80, v3, vm0, $0xb8;
	[tilespmem:$0x15000] =	vst v63  }
.LBB2_10:
0x1f0: {  	_ =	swait.ge [sflag:s29], $0x4000;
	s9 =	sshll.u32 s10, $0x8  }
0x1f1: {  	[sflag:s29] =	ssyncset.done $0x0;
	s9 =	sand.u32 $0xFFFFF800, s9  }
0x1f2: {  	[sflag:s29] =	ssyncadd.s32 $0xFFFFC000;
	s9 =	sor.u32 s17, s9  }
0x1f3: {  	v3 =	vld [tilespmem:s9+$0x4000]  }
0x1f4: {  	v4 =	vld [tilespmem:s9+$0x4010]  }
0x1f5: {  	v5 =	vld [tilespmem:s9+$0x4020]  }
0x1f6: {  	v6 =	vld [tilespmem:s9+$0x4030]  }
0x1f7: {  	v7 =	vld [tilespmem:s9+$0x4040]  }
0x1f8: {  	v8 =	vld [tilespmem:s9+$0x4050]  }
0x1f9: {  	v9 =	vld [tilespmem:s9+$0x4060]  }
0x1fa: {  	v10 =	vld [tilespmem:s9+$0x4070]  }
0x1fb: {  	v11 =	vld [tilespmem:s9+$0x4400]  }
0x1fc: {  	v12 =	vld [tilespmem:s9+$0x4410]  }
0x1fd: {  	v13 =	vld [tilespmem:s9+$0x4420]  }
0x1fe: {  	v14 =	vld [tilespmem:s9+$0x4430]  }
0x1ff: {  	s22 =	simm.s32 $0x0;
	v15 =	vld [tilespmem:s9+$0x4440]  }
0x200: {  	s13 =	sand.u32 $0x3800, s22;
	s10 =	sand.u32 $0x380, s22;
	v16 =	vld [tilespmem:s9+$0x4450]  }
0x201: {  	s10 =	sor.u32 s10, s13;
	v18 =	vld [tilespmem:s9+$0x4460]  }
0x202: {  	v17 =	vld [tilespmem:s9+$0x4470];
	s9 =	sadd.s32 $0x11000, s10  }
0x203: {  	s13 =	sor.u32 $0x10, s9;
	[tilespmem:s10+$0x11000] =	vst.add.f32.msk $0xffff, v3  }
0x204: {  	s14 =	sor.u32 $0x20, s9;
	[tilespmem:s13+$0x0] =	vst.add.f32.msk $0xffff, v4  }
0x205: {  	s17 =	sor.u32 $0x30, s9;
	[tilespmem:s14+$0x0] =	vst.add.f32.msk $0xffff, v5  }
0x206: {  	s20 =	sor.u32 $0x40, s9;
	[tilespmem:s17+$0x0] =	vst.add.f32.msk $0xffff, v6  }
0x207: {  	s21 =	sor.u32 $0x50, s9;
	[tilespmem:s20+$0x0] =	vst.add.f32.msk $0xffff, v7  }
0x208: {  	s22 =	sor.u32 $0x60, s9;
	[tilespmem:s21+$0x0] =	vst.add.f32.msk $0xffff, v8  }
0x209: {  	s13 =	sor.u32 $0x70, s9;
	[tilespmem:s22+$0x0] =	vst.add.f32.msk $0xffff, v9  }
0x20a: {  	s14 =	sor.u32 $0x400, s9;
	[tilespmem:s13+$0x0] =	vst.add.f32.msk $0xffff, v10  }
0x20b: {  	s17 =	sor.u32 $0x410, s9;
	[tilespmem:s14+$0x0] =	vst.add.f32.msk $0xffff, v11  }
0x20c: {  	s20 =	sor.u32 $0x420, s9;
	[tilespmem:s17+$0x0] =	vst.add.f32.msk $0xffff, v12  }
0x20d: {  	s21 =	sor.u32 $0x430, s9;
	[tilespmem:s20+$0x0] =	vst.add.f32.msk $0xffff, v13  }
0x20e: {  	s10 =	simm.s32 $0x80;
	s22 =	sor.u32 $0x440, s9;
	[tilespmem:s21+$0x0] =	vst.add.f32.msk $0xffff, v14  }
0x20f: {  	s13 =	sor.u32 $0x460, s9;
	s14 =	simm.s32 $0x100;
	s17 =	sor.u32 $0x450, s9;
	[tilespmem:s22+$0x0] =	vst.add.f32.msk $0xffff, v15  }
.LBB2_11:
0x210: {  	s20 =	sand.u32 $0x3800, s14  }
0x211: {  	s21 =	sand.u32 $0x380, s10;
	[tilespmem:s17+$0x0] =	vst.add.f32.msk $0xffff, v16;
	s17 =	smov.u32 s14;
	s22 =	sadd.s32 $0x100, s14  }
0x212: {  	p1 =	sne.s32 s14, $0x3F00;
	s17 =	sor.u32 s21, s20;
	[tilespmem:s13+$0x0] =	vst.add.f32.msk $0xffff, v18;
	s13 =	sor.u32 $0x470, s9  }
0x213: {  	s9 =	sadd.s32 $0x11000, s17;
	[tilespmem:s13+$0x0] =	vst.add.f32.msk $0xffff, v17  }
0x214: {  	[tilespmem:s17+$0x11000] =	vst.add.f32.msk $0xffff, v3;
	s14 =	sor.u32 $0x10, s9;
	s13 =	sor.u32 $0x460, s9  }
0x215: {  	[tilespmem:s14+$0x0] =	vst.add.f32.msk $0xffff, v4;
	s14 =	sor.u32 $0x20, s9  }
0x216: {  	[tilespmem:s14+$0x0] =	vst.add.f32.msk $0xffff, v5;
	s14 =	sor.u32 $0x30, s9  }
0x217: {  	[tilespmem:s14+$0x0] =	vst.add.f32.msk $0xffff, v6;
	s14 =	sor.u32 $0x40, s9  }
0x218: {  	[tilespmem:s14+$0x0] =	vst.add.f32.msk $0xffff, v7;
	s14 =	sor.u32 $0x50, s9  }
0x219: {  	[tilespmem:s14+$0x0] =	vst.add.f32.msk $0xffff, v8;
	s14 =	sor.u32 $0x60, s9  }
0x21a: {  	[tilespmem:s14+$0x0] =	vst.add.f32.msk $0xffff, v9;
	s14 =	sor.u32 $0x70, s9  }
0x21b: {  	[tilespmem:s14+$0x0] =	vst.add.f32.msk $0xffff, v10;
	s14 =	sor.u32 $0x400, s9  }
.Ltmp6:
0x21c: {  	[tilespmem:s14+$0x0] =	vst.add.f32.msk $0xffff, v11;
	s14 =	sor.u32 $0x410, s9;
	(pc) =	sbr.rel @p1 .LBB2_11-.Ltmp6, $4  }
0x21d: {  	[tilespmem:s14+$0x0] =	vst.add.f32.msk $0xffff, v12;
	s14 =	sor.u32 $0x420, s9  }
0x21e: {  	[tilespmem:s14+$0x0] =	vst.add.f32.msk $0xffff, v13;
	s14 =	sor.u32 $0x430, s9  }
0x21f: {  	[tilespmem:s14+$0x0] =	vst.add.f32.msk $0xffff, v14;
	s14 =	sor.u32 $0x440, s9  }
0x220: {  	s10 =	sadd.s32 $0x80, s10;
	s17 =	sor.u32 $0x450, s9;
	[tilespmem:s14+$0x0] =	vst.add.f32.msk $0xffff, v15;
	s14 =	smov.u32 s22  }
.Ltmp7:
0x221: {  	(pc) =	sbr.rel @p0 .LBB2_14-.Ltmp7, $4  }
0x222: {  	[tilespmem:s17+$0x0] =	vst.add.f32.msk $0xffff, v16;
	s8 =	sshll.u32 s8, $0xB  }
0x223: {  	s9 =	sor.u32 $0x470, s9;
	[tilespmem:s13+$0x0] =	vst.add.f32.msk $0xffff, v18;
	s8 =	sand.u32 $0x1FFFF800, s8  }
0x224: {  	[tilespmem:s9+$0x0] =	vst.add.f32.msk $0xffff, v17;
	s8 =	sadd.s32 s4, s8  }
0x225: {  	[hbm4b:s8+s5] =	stream.linear.scatter [tilespmem:s19], [sflag:$0x8], $0x4000, $0x38;
	[tilespmem:$0x15000] =	vst v63  }
0x226: {  	s8 =	sadd.s32 s15, s12  }
0x227: {  	s9 =	sshrl.u32 s8, $0x4  }
0x228: {  	s9 =	ssub.s32 s9, s6  }
0x229: {  	_ =	swait.ge [sflag:s31], $0x4000;
	s10 =	sshll.u32 s8, $0x9;
	s9 =	sshll.u32 s9, $0xA  }
0x22a: {  	s8 =	sshll.u32 s8, $0x3;
	s10 =	sand.u32 $0x1800, s10;
	s9 =	sand.u32 $0xFFFFE000, s9  }
0x22b: {  	[sflag:s31] =	ssyncset.done $0x0;
	s8 =	sand.u32 $0x380, s8;
	s9 =	sor.u32 s10, s9  }
0x22c: {  	[sflag:s31] =	ssyncadd.s32 $0xFFFFC000;
	s8 =	sor.u32 s8, s9  }
0x22d: {  	v3 =	vld [tilespmem:s8+$0x40];
	_ =	sdelay $0x4  }
0x22e: {  	v4 =	vshll.u32 v3, $0x1  }
0x22f: {  	v3 =	vand.u32 $0x7, v3;
	v4 =	vand.u32 $0xFFFFFFF0, v4  }
0x230: {  	v3 =	vor.u32 v3, v4  }
0x231: {  	v4 =	vperm.xlane v3, v0;
	_ =	sdelay $0x1  }
0x232: {  	v3 =	vperm.xlane v3, v2;
	v4 =	vadd.s32 v1, v4;
	_ =	sdelay $0x1  }
0x233: {  	v3 =	vadd.s32 v1, v3;
	_ =	sdelay $0x2  }
0x234: {  	[tilespmem:s24], [sflag:$0x2] =	stream.indirect_vreg.gather [hbm4b:s3+s5], $0x80, v4, vm0, $0xb8;
	[tilespmem:$0x15000] =	vst v63  }
0x235: {  	s13 =	simm.s32 $0x9800  }
0x236: {  	[tilespmem:s13], [sflag:$0x2] =	stream.indirect_vreg.gather [hbm4b:s3+s5], $0x80, v3, vm0, $0xb8;
	[tilespmem:$0x15000] =	vst v63  }
0x237: {  	v3 =	vld [tilespmem:s8+$0x50];
	_ =	sdelay $0x4  }
0x238: {  	v61 =	vshll.u32 v3, $0x1  }
0x239: {  	v3 =	vand.u32 $0x7, v3;
	v4 =	vand.u32 $0xFFFFFFF0, v61  }
0x23a: {  	v3 =	vor.u32 v3, v4  }
0x23b: {  	v4 =	vperm.xlane v3, v0;
	_ =	sdelay $0x1  }
0x23c: {  	v3 =	vperm.xlane v3, v2;
	v4 =	vadd.s32 v1, v4;
	_ =	sdelay $0x1  }
0x23d: {  	v3 =	vadd.s32 v1, v3;
	_ =	sdelay $0x1  }
0x23e: {  	s14 =	simm.s32 $0xA000  }
0x23f: {  	[tilespmem:s14], [sflag:$0x2] =	stream.indirect_vreg.gather [hbm4b:s3+s5], $0x80, v4, vm0, $0xb8;
	[tilespmem:$0x15000] =	vst v63  }
0x240: {  	s15 =	simm.s32 $0xA800  }
0x241: {  	[tilespmem:s15], [sflag:$0x2] =	stream.indirect_vreg.gather [hbm4b:s3+s5], $0x80, v3, vm0, $0xb8;
	[tilespmem:$0x15000] =	vst v63  }
0x242: {  	v3 =	vld [tilespmem:s8+$0x60];
	_ =	sdelay $0x4  }
0x243: {  	v62 =	vshll.u32 v3, $0x1  }
0x244: {  	v3 =	vand.u32 $0x7, v3;
	v4 =	vand.u32 $0xFFFFFFF0, v62  }
0x245: {  	v3 =	vor.u32 v3, v4  }
0x246: {  	v4 =	vperm.xlane v3, v0;
	_ =	sdelay $0x1  }
0x247: {  	v3 =	vperm.xlane v3, v2;
	v4 =	vadd.s32 v1, v4;
	_ =	sdelay $0x1  }
0x248: {  	v3 =	vadd.s32 v1, v3;
	_ =	sdelay $0x1  }
0x249: {  	s17 =	simm.s32 $0xB000  }
0x24a: {  	[tilespmem:s17], [sflag:$0x2] =	stream.indirect_vreg.gather [hbm4b:s3+s5], $0x80, v4, vm0, $0xb8;
	[tilespmem:$0x15000] =	vst v63  }
0x24b: {  	s20 =	simm.s32 $0xB800  }
0x24c: {  	[tilespmem:s20], [sflag:$0x2] =	stream.indirect_vreg.gather [hbm4b:s3+s5], $0x80, v3, vm0, $0xb8;
	[tilespmem:$0x15000] =	vst v63  }
0x24d: {  	v3 =	vld [tilespmem:s8+$0x70];
	_ =	sdelay $0x4  }
0x24e: {  	v63 =	vshll.u32 v3, $0x1  }
0x24f: {  	v3 =	vand.u32 $0x7, v3;
	v4 =	vand.u32 $0xFFFFFFF0, v63  }
0x250: {  	v3 =	vor.u32 v3, v4  }
0x251: {  	v4 =	vperm.xlane v3, v0;
	_ =	sdelay $0x1  }
0x252: {  	v3 =	vperm.xlane v3, v2;
	v4 =	vadd.s32 v1, v4;
	_ =	sdelay $0x1  }
0x253: {  	v3 =	vadd.s32 v1, v3  }
.Ltmp8:
0x254: {  	_ = 	snop;
	(pc) =	sbr.rel .LBB2_2-.Ltmp8, $4  }
0x255: {  	s21 =	simm.s32 $0xC000  }
0x256: {  	[tilespmem:s21], [sflag:$0x2] =	stream.indirect_vreg.gather [hbm4b:s3+s5], $0x80, v4, vm0, $0xb8;
	[tilespmem:$0x15000] =	vst v63  }
0x257: {  	s22 =	simm.s32 $0xC800;
	s2 =	sadd.s32 $0x1, s2  }
0x258: {  	[tilespmem:s22], [sflag:$0x2] =	stream.indirect_vreg.gather [hbm4b:s3+s5], $0x80, v3, vm0, $0xb8;
	[tilespmem:$0x15000] =	vst v63  }
.LBB2_15:
0x259: {  	_ =	sfence.sel $0x180000  }
0x25a: {  	[bflag:$0x0] =	sbarrier.arrive $0xFFFF  }
0x25b: {  	_ =	strace $0x90000047  }
0x25c: {  	s0 =	stileid.u32;
	[bflag:$0x2] =	sbarrier.arrive $0xFFFF  }
0x25d: {  	p0 =	sne.s32 s0, $0x0;
	s0 =	rddreg [dreg:$0x4]  }
0x25e: {  	s0 =	sadd.s32 @!p0 $0x100000, s0  }
0x25f: {  	[sflag:s0] =	ssyncadd.tile.s32 @!p0 $0x1;
	_ =	shalt  }
.Lfunc_end2:
_tile_overlayer_lowered:
.L_overlay_start_2:
0x260: {  	(tag) =	ssettag $0x2  }
0x261: {  	s0 =	rddreg [dreg:$0x0];
	s2 =	stileid.u32  }
0x262: {  	s1 =	rddreg [dreg:$0x1];
	p0 =	sne.s32 s2, $0x0  }
0x263: {  	s3 =	rddreg [dreg:$0x2];
	[bflag:$0x3] =	sbarrier.arrive $0xFFFF;
	s2 =	simm.s32 @!p0 $0x1C09  }
0x264: {  	[timem:s3], [sflag:s2] =	dma.local @!p0 [hbm:s0], s1  }
0x265: {  	s0 =	simm.s32 @!p0 $0x9  }
0x266: {  	_ =	swait.ge @!p0 [sflag:s0], s1  }
0x267: {  	s1 =	ssub.s32 @!p0 $0x0, s1;
	[sflag:s0] =	ssyncset.done @!p0 $0x0  }
0x268: {  	[sflag:s0] =	ssyncadd.s32 @!p0 s1  }
0x269: {  	[bflag:$0x3] =	sbarrier.arrive $0xFFFF  }
0x26a: {  	_ =	shalt  }

</sc_bundles>
